<compile_context>
chip_gen: v7x
topology: tpu7x:2x2x1
jax: 0.10.2.dev20260603
libtpu: 0.0.44.dev20260713+nightly
codegen_flags: <defaults>
</compile_context>

<pallas_src>
import functools
import math

import jax
import jax.numpy as jnp
from jax import lax
from jax.experimental import pallas as pl
from jax.experimental.pallas import tpu as pltpu
from jax.experimental.pallas import tpu_sc as plsc

NUM_LEVELS = 16
TABLE_SIZE = 2 ** 19
FEATURE_DIMS = 2
MIN_RES = 16
N_POINTS = 524288

NC = 2
NS = 16
NW = NC * NS
PTS_PER_W = N_POINTS // NW
C = 1024
NCHUNK = PTS_PER_W // C
G = C // 16
ROWS = 8 * C
DMA_B = 128
NDMA = ROWS // DMA_B

P1 = 2654435761
P2 = 805459861
MASK = TABLE_SIZE - 1


def _body(xs_hbm, ys_hbm, zs_hbm, table_hbm, out_hbm, x_v, y_v, z_v, w_v,
          idx_v, rows_v, out_v, sem):
    wid = lax.axis_index("s") * NC + lax.axis_index("c")
    lanes = lax.iota(jnp.int32, 16)
    lanes8 = lanes * 8

    def chunk_body(ci, _):
        base = wid * PTS_PER_W + ci * C
        pltpu.sync_copy(xs_hbm.at[pl.ds(base, C)], x_v)
        pltpu.sync_copy(ys_hbm.at[pl.ds(base, C)], y_v)
        pltpu.sync_copy(zs_hbm.at[pl.ds(base, C)], z_v)

        def level_body(l, res_f):
            loff = l * TABLE_SIZE

            def hash_body(g, _):
                p0 = g * 16
                xv = x_v[pl.ds(p0, 16)]
                yv = y_v[pl.ds(p0, 16)]
                zv = z_v[pl.ds(p0, 16)]
                sx = xv * res_f + 0.5
                sy = yv * res_f + 0.5
                sz = zv * res_f + 0.5
                fx = sx.astype(jnp.int32)
                fy = sy.astype(jnp.int32)
                fz = sz.astype(jnp.int32)
                w_v[0, pl.ds(p0, 16)] = sx - fx.astype(jnp.float32)
                w_v[1, pl.ds(p0, 16)] = sy - fy.astype(jnp.float32)
                w_v[2, pl.ds(p0, 16)] = sz - fz.astype(jnp.float32)
                p1 = jnp.uint32(P1)
                p2 = jnp.uint32(P2)
                x0 = fx.astype(jnp.uint32)
                x1 = x0 + 1
                ya = fy.astype(jnp.uint32) * p1
                yb = ya + p1
                za = fz.astype(jnp.uint32) * p2
                zb = za + p2
                t00 = x0 ^ ya
                t10 = x1 ^ ya
                t01 = x0 ^ yb
                t11 = x1 ^ yb
                pos = g * 128 + lanes8
                for c in range(8):
                    t = (t00, t10, t01, t11)[c & 3]
                    zc = za if c < 4 else zb
                    h = ((t ^ zc) & MASK).astype(jnp.int32) + loff
                    plsc.store_scatter(idx_v, [pos + c], h)
                cpy = pltpu.make_async_copy(
                    table_hbm.at[idx_v.at[pl.ds(g * 128, 128)]],
                    rows_v.at[pl.ds(g * 128, 128)], sem)
                cpy.start()
                return 0

            lax.fori_loop(0, G, hash_body, 0)

            def drain_body(j, _):
                pltpu.make_async_copy(
                    table_hbm.at[idx_v.at[pl.ds(j * 128, 128)]],
                    rows_v.at[pl.ds(j * 128, 128)], sem).wait()
                return 0

            lax.fori_loop(0, G, drain_body, 0)

            def interp_body(g, _):
                p0 = g * 16
                wx = w_v[0, pl.ds(p0, 16)]
                wy = w_v[1, pl.ds(p0, 16)]
                wz = w_v[2, pl.ds(p0, 16)]
                omx = 1.0 - wx
                omy = 1.0 - wy
                omz = 1.0 - wz
                rbase = g * 128 + lanes8
                zeros = jnp.zeros((16,), jnp.int32)
                ones = zeros + 1
                f0 = []
                f1 = []
                for c in range(8):
                    ridx = rbase + c
                    f0.append(plsc.load_gather(rows_v, [ridx, zeros]))
                    f1.append(plsc.load_gather(rows_v, [ridx, ones]))
                pvec = p0 + lanes
                for f, ff in ((0, f0), (1, f1)):
                    a = ff[0] * omx + ff[1] * wx
                    b = ff[2] * omx + ff[3] * wx
                    cc = ff[4] * omx + ff[5] * wx
                    d = ff[6] * omx + ff[7] * wx
                    ab = a * omy + b * wy
                    cd = cc * omy + d * wy
                    e = ab * omz + cd * wz
                    plsc.store_scatter(out_v, [pvec * 32 + 2 * l + f], e)
                return 0

            lax.fori_loop(0, G, interp_body, 0)
            return res_f * 2.0

        lax.fori_loop(0, NUM_LEVELS, level_body, jnp.float32(MIN_RES))
        pltpu.sync_copy(out_v, out_hbm.at[pl.ds(base * 32, C * 32)])
        return 0

    lax.fori_loop(0, NCHUNK, chunk_body, 0)


@jax.jit
def _encode(xs, ys, zs, table):
    mesh = plsc.VectorSubcoreMesh(core_axis_name="c", subcore_axis_name="s")
    kern = functools.partial(
        pl.kernel,
        out_type=jax.ShapeDtypeStruct((N_POINTS * 32,), jnp.float32),
        mesh=mesh,
        compiler_params=pltpu.CompilerParams(needs_layout_passes=False,
                                             use_tc_tiling_on_sc=False),
        scratch_types=[
            pltpu.VMEM((C,), jnp.float32),
            pltpu.VMEM((C,), jnp.float32),
            pltpu.VMEM((C,), jnp.float32),
            pltpu.VMEM((3, C), jnp.float32),
            pltpu.VMEM((ROWS,), jnp.int32),
            pltpu.VMEM((ROWS, 2), jnp.float32),
            pltpu.VMEM((C * 32,), jnp.float32),
            pltpu.SemaphoreType.DMA,
        ],
    )(_body)
    return kern(xs, ys, zs, table)


def kernel(points, hash_table):
    xs = points[:, 0]
    ys = points[:, 1]
    zs = points[:, 2]
    out = _encode(xs, ys, zs, hash_table)
    return out.reshape(N_POINTS, 32)

# --- scband reference (transcript-rebuilt; emitter-appended) ---
"""Pipeline reference for scband-hash-grid-encoder-1683627180189 (READ-ONLY COPY).

The authoritative reference and input builder live on the scoring server;
editing this copy changes nothing except your own understanding.
"""

import math
import jax, jax.numpy as jnp
import numpy as np

NUM_LEVELS = 16
TABLE_SIZE = 2 ** 19
FEATURE_DIMS = 2
MIN_RES = 16
MAX_RES = 2 ** 19
N_POINTS = 524288


def setup_inputs(seed: int = 0):
    key = jax.random.key(seed)
    k1, k2 = jax.random.split(key)
    points = jax.random.uniform(k1, (N_POINTS, 3), dtype=jnp.float32)
    hash_table = jax.random.uniform(k2, (TABLE_SIZE * NUM_LEVELS, FEATURE_DIMS), minval=-0.0001, maxval=0.0001, dtype=jnp.float32)
    return {"points": points, "hash_table": hash_table}


def _forward(points, hash_table):
    growth = math.exp((math.log(MAX_RES) - math.log(MIN_RES)) / (NUM_LEVELS - 1))
    resolutions = jnp.floor(MIN_RES * growth ** jnp.arange(NUM_LEVELS)).reshape((-1, 1))
    table_offsets = TABLE_SIZE * jnp.arange(NUM_LEVELS, dtype=jnp.uint32)
    primes = jnp.array([1, 2654435761, 805459861], dtype=jnp.uint32)

    def hash_function(ijk):
        x = ijk.astype(jnp.uint32) * primes
        encoded = x[..., 0] ^ x[..., 1] ^ x[..., 2]
        return encoded % jnp.uint32(TABLE_SIZE)

    def for_each_layer(vertices, table_offset, weight):
        hashed = hash_function(vertices)
        indices = hashed + table_offset
        features = hash_table[indices, :]
        w = weight[..., jnp.newaxis]
        omw = 1.0 - w
        f_01 = features[:, 0, :] * omw[:, 0, :] + features[:, 1, :] * w[:, 0, :]
        f_23 = features[:, 2, :] * omw[:, 0, :] + features[:, 3, :] * w[:, 0, :]
        f_45 = features[:, 4, :] * omw[:, 0, :] + features[:, 5, :] * w[:, 0, :]
        f_67 = features[:, 6, :] * omw[:, 0, :] + features[:, 7, :] * w[:, 0, :]
        f_0123 = f_01 * omw[:, 1] + f_23 * w[:, 1]
        f_4567 = f_45 * omw[:, 1] + f_67 * w[:, 1]
        encoded = f_0123 * omw[:, 2] + f_4567 * w[:, 2]
        return encoded

    scaled = jax.vmap(lambda res: points * res + 0.5, out_axes=1)(resolutions)
    floors = jnp.floor(scaled).astype(jnp.int32)
    weights = scaled - floors
    vertices_of_cell = jnp.asarray([[0, 0, 0], [1, 0, 0], [0, 1, 0], [1, 1, 0], [0, 0, 1], [1, 0, 1], [0, 1, 1], [1, 1, 1]])
    all_vertices = floors[:, :, jnp.newaxis, :] + vertices_of_cell[jnp.newaxis, jnp.newaxis, :]
    encoded_vertices = jax.vmap(for_each_layer, in_axes=(1, 0, 1), out_axes=1)(all_vertices, table_offsets, weights)
    return encoded_vertices.reshape(points.shape[0], -1)


def reference(points, hash_table):
    return _forward(points, hash_table)

if __name__ == "__main__":
    import jax
    _d = setup_inputs()
    print(jax.jit(kernel)(*tuple(_d.values())))

</pallas_src>

<mosaic_0001>
#map = affine_map<(d0, d1) -> (0)>
#map1 = affine_map<(d0, d1) -> (0, 0)>
module attributes {stable_mosaic.version = 14 : i64} {
  func.func @_body(%arg0: i32, %arg1: i32, %arg2: memref<524288xf32, #tpu.memory_space<hbm>>, %arg3: memref<524288xf32, #tpu.memory_space<hbm>>, %arg4: memref<524288xf32, #tpu.memory_space<hbm>>, %arg5: memref<8388608x2xf32, #tpu.memory_space<hbm>>, %arg6: memref<16777216xf32, #tpu.memory_space<hbm>>, %arg7: memref<1024xf32, #tpu.memory_space<vmem>>, %arg8: memref<1024xf32, #tpu.memory_space<vmem>>, %arg9: memref<1024xf32, #tpu.memory_space<vmem>>, %arg10: memref<3x1024xf32, #tpu.memory_space<vmem>>, %arg11: memref<8192xi32, #tpu.memory_space<vmem>>, %arg12: memref<8192x2xf32, #tpu.memory_space<vmem>>, %arg13: memref<32768xf32, #tpu.memory_space<vmem>>, %arg14: memref<!tpu.dma_semaphore, #tpu.memory_space<semaphore_mem>>) attributes {dimension_semantics = [#tpu.dimension_semantics<core_parallel>, #tpu.dimension_semantics<subcore_parallel>], iteration_bounds = array<i64: 2, 16>, scalar_prefetch = 0 : i64, scratch_operands = 8 : i64, tpu.core_type = #tpu.core_type<sc_vector_subcore>, window_params = [{transform_indices = #map}, {transform_indices = #map}, {transform_indices = #map}, {transform_indices = #map1}, {transform_indices = #map}]} {
    %mul3A = arith.constant 2 : i32
    %mul3A_0 = arith.muli %arg1, %mul3A : i32
    %add3A = arith.addi %mul3A_0, %arg0 : i32
    %iota3A = tpu.iota {dimensions = array<i32: 0>} : vector<16xi32>
    %mul3A_1 = arith.constant 8 : i32
    %mul3A_2 = vector.broadcast %mul3A_1 : i32 to vector<16xi32>
    %mul3A_3 = arith.muli %iota3A, %mul3A_2 : vector<16xi32>
    %scan3A = arith.constant 0 : i32
    %scan3A_4 = arith.constant 0 : i32
    %scan3A_5 = arith.constant 16 : i32
    %scan3A_6 = arith.addi %scan3A_4, %scan3A_5 : i32
    %scan3A_7 = arith.constant 1 : i32
    %scan3A_8 = scf.for %scan3A_10 = %scan3A_4 to %scan3A_6 step %scan3A_7 iter_args(%scan3A_11 = %scan3A) -> (i32)  : i32 {
      %mul3A_12 = arith.constant 16384 : i32
      %mul3A_13 = arith.muli %add3A, %mul3A_12 : i32
      %mul3A_14 = arith.constant 1024 : i32
      %mul3A_15 = arith.muli %scan3A_10, %mul3A_14 : i32
      %add3A_16 = arith.addi %mul3A_13, %mul3A_15 : i32
      "tpu.region"() ({
        %run_scoped3A = tpu.sem_alloc : memref<!tpu.dma_semaphore, #tpu.memory_space<semaphore_mem>>
        %dma_start3A = tpu.memref_slice %arg2[%add3A_16] : memref<524288xf32, #tpu.memory_space<hbm>> -> memref<1024xf32, #tpu.memory_space<hbm>>
        %dma_start3A_27 = tpu.memref_slice %arg2[%add3A_16] : memref<524288xf32, #tpu.memory_space<hbm>> -> memref<1024xf32, #tpu.memory_space<hbm>>
        tpu.enqueue_dma source(%dma_start3A_27 : memref<1024xf32, #tpu.memory_space<hbm>>) target(%arg7 : memref<1024xf32, #tpu.memory_space<vmem>>) target_semaphore(%run_scoped3A : memref<!tpu.dma_semaphore, #tpu.memory_space<semaphore_mem>>)
        %dma_wait3A = tpu.memref_slice %arg2[%add3A_16] : memref<524288xf32, #tpu.memory_space<hbm>> -> memref<1024xf32, #tpu.memory_space<hbm>>
        %dma_wait3A_28 = tpu.memref_slice %arg2[%add3A_16] : memref<524288xf32, #tpu.memory_space<hbm>> -> memref<1024xf32, #tpu.memory_space<hbm>>
        tpu.wait_dma2 semaphore(%run_scoped3A : memref<!tpu.dma_semaphore, #tpu.memory_space<semaphore_mem>>) src(%dma_wait3A_28 : memref<1024xf32, #tpu.memory_space<hbm>>) dst(%arg7 : memref<1024xf32, #tpu.memory_space<vmem>>)
        tpu.yield
      }) : () -> ()
      "tpu.region"() ({
        %run_scoped3A = tpu.sem_alloc : memref<!tpu.dma_semaphore, #tpu.memory_space<semaphore_mem>>
        %dma_start3A = tpu.memref_slice %arg3[%add3A_16] : memref<524288xf32, #tpu.memory_space<hbm>> -> memref<1024xf32, #tpu.memory_space<hbm>>
        %dma_start3A_27 = tpu.memref_slice %arg3[%add3A_16] : memref<524288xf32, #tpu.memory_space<hbm>> -> memref<1024xf32, #tpu.memory_space<hbm>>
        tpu.enqueue_dma source(%dma_start3A_27 : memref<1024xf32, #tpu.memory_space<hbm>>) target(%arg8 : memref<1024xf32, #tpu.memory_space<vmem>>) target_semaphore(%run_scoped3A : memref<!tpu.dma_semaphore, #tpu.memory_space<semaphore_mem>>)
        %dma_wait3A = tpu.memref_slice %arg3[%add3A_16] : memref<524288xf32, #tpu.memory_space<hbm>> -> memref<1024xf32, #tpu.memory_space<hbm>>
        %dma_wait3A_28 = tpu.memref_slice %arg3[%add3A_16] : memref<524288xf32, #tpu.memory_space<hbm>> -> memref<1024xf32, #tpu.memory_space<hbm>>
        tpu.wait_dma2 semaphore(%run_scoped3A : memref<!tpu.dma_semaphore, #tpu.memory_space<semaphore_mem>>) src(%dma_wait3A_28 : memref<1024xf32, #tpu.memory_space<hbm>>) dst(%arg8 : memref<1024xf32, #tpu.memory_space<vmem>>)
        tpu.yield
      }) : () -> ()
      "tpu.region"() ({
        %run_scoped3A = tpu.sem_alloc : memref<!tpu.dma_semaphore, #tpu.memory_space<semaphore_mem>>
        %dma_start3A = tpu.memref_slice %arg4[%add3A_16] : memref<524288xf32, #tpu.memory_space<hbm>> -> memref<1024xf32, #tpu.memory_space<hbm>>
        %dma_start3A_27 = tpu.memref_slice %arg4[%add3A_16] : memref<524288xf32, #tpu.memory_space<hbm>> -> memref<1024xf32, #tpu.memory_space<hbm>>
        tpu.enqueue_dma source(%dma_start3A_27 : memref<1024xf32, #tpu.memory_space<hbm>>) target(%arg9 : memref<1024xf32, #tpu.memory_space<vmem>>) target_semaphore(%run_scoped3A : memref<!tpu.dma_semaphore, #tpu.memory_space<semaphore_mem>>)
        %dma_wait3A = tpu.memref_slice %arg4[%add3A_16] : memref<524288xf32, #tpu.memory_space<hbm>> -> memref<1024xf32, #tpu.memory_space<hbm>>
        %dma_wait3A_28 = tpu.memref_slice %arg4[%add3A_16] : memref<524288xf32, #tpu.memory_space<hbm>> -> memref<1024xf32, #tpu.memory_space<hbm>>
        tpu.wait_dma2 semaphore(%run_scoped3A : memref<!tpu.dma_semaphore, #tpu.memory_space<semaphore_mem>>) src(%dma_wait3A_28 : memref<1024xf32, #tpu.memory_space<hbm>>) dst(%arg9 : memref<1024xf32, #tpu.memory_space<vmem>>)
        tpu.yield
      }) : () -> ()
      %scan3A_17 = arith.constant 1.600000e+01 : f32
      %scan3A_18 = arith.constant 0 : i32
      %scan3A_19 = arith.constant 16 : i32
      %scan3A_20 = arith.addi %scan3A_18, %scan3A_19 : i32
      %scan3A_21 = arith.constant 1 : i32
      %scan3A_22 = scf.for %scan3A_27 = %scan3A_18 to %scan3A_20 step %scan3A_21 iter_args(%scan3A_28 = %scan3A_17) -> (f32)  : i32 {
        %mul3A_29 = arith.constant 524288 : i32
        %mul3A_30 = arith.muli %scan3A_27, %mul3A_29 : i32
        %scan3A_31 = arith.constant 0 : i32
        %scan3A_32 = arith.constant 0 : i32
        %scan3A_33 = arith.constant 64 : i32
        %scan3A_34 = arith.addi %scan3A_32, %scan3A_33 : i32
        %scan3A_35 = arith.constant 1 : i32
        %scan3A_36 = scf.for %scan3A_54 = %scan3A_32 to %scan3A_34 step %scan3A_35 iter_args(%scan3A_55 = %scan3A_31) -> (i32)  : i32 {
          %mul3A_56 = arith.constant 16 : i32
          %mul3A_57 = arith.muli %scan3A_54, %mul3A_56 : i32
          %get3A = arith.index_cast %mul3A_57 : i32 to index
          %get3A_58 = tpu.vector_load %arg7[%get3A] {strides = array<i32>} : memref<1024xf32, #tpu.memory_space<vmem>>, vector<16xf32>,
          %get3A_59 = arith.index_cast %mul3A_57 : i32 to index
          %get3A_60 = tpu.vector_load %arg8[%get3A_59] {strides = array<i32>} : memref<1024xf32, #tpu.memory_space<vmem>>, vector<16xf32>,
          %get3A_61 = arith.index_cast %mul3A_57 : i32 to index
          %get3A_62 = tpu.vector_load %arg9[%get3A_61] {strides = array<i32>} : memref<1024xf32, #tpu.memory_space<vmem>>, vector<16xf32>,
          %mul3A_63 = vector.broadcast %scan3A_28 : f32 to vector<16xf32>
          %mul3A_64 = arith.mulf %get3A_58, %mul3A_63 : vector<16xf32>
          %add3A_65 = arith.constant 5.000000e-01 : f32
          %add3A_66 = vector.broadcast %add3A_65 : f32 to vector<16xf32>
          %add3A_67 = arith.addf %mul3A_64, %add3A_66 : vector<16xf32>
          %mul3A_68 = vector.broadcast %scan3A_28 : f32 to vector<16xf32>
          %mul3A_69 = arith.mulf %get3A_60, %mul3A_68 : vector<16xf32>
          %add3A_70 = arith.constant 5.000000e-01 : f32
          %add3A_71 = vector.broadcast %add3A_70 : f32 to vector<16xf32>
          %add3A_72 = arith.addf %mul3A_69, %add3A_71 : vector<16xf32>
          %mul3A_73 = vector.broadcast %scan3A_28 : f32 to vector<16xf32>
          %mul3A_74 = arith.mulf %get3A_62, %mul3A_73 : vector<16xf32>
          %add3A_75 = arith.constant 5.000000e-01 : f32
          %add3A_76 = vector.broadcast %add3A_75 : f32 to vector<16xf32>
          %add3A_77 = arith.addf %mul3A_74, %add3A_76 : vector<16xf32>
          %convert_element_type3A = arith.fptosi %add3A_67 : vector<16xf32> to vector<16xi32>
          %convert_element_type3A_78 = arith.fptosi %add3A_72 : vector<16xf32> to vector<16xi32>
          %convert_element_type3A_79 = arith.fptosi %add3A_77 : vector<16xf32> to vector<16xi32>
          %convert_element_type3A_80 = arith.sitofp %convert_element_type3A : vector<16xi32> to vector<16xf32>
          %sub3A = arith.subf %add3A_67, %convert_element_type3A_80 : vector<16xf32>
          %swap3A = arith.constant 0 : i32
          %swap3A_81 = arith.index_cast %swap3A : i32 to index
          %swap3A_82 = arith.index_cast %mul3A_57 : i32 to index
          %swap3A_83 = tpu.vector_load %arg10[%swap3A_81, %swap3A_82] {strides = array<i32>} : memref<3x1024xf32, #tpu.memory_space<vmem>>, vector<16xf32>,
          tpu.vector_store %arg10[%swap3A_81, %swap3A_82], %sub3A {strides = array<i32>} : memref<3x1024xf32, #tpu.memory_space<vmem>>, vector<16xf32>,
          %convert_element_type3A_84 = arith.sitofp %convert_element_type3A_78 : vector<16xi32> to vector<16xf32>
          %sub3A_85 = arith.subf %add3A_72, %convert_element_type3A_84 : vector<16xf32>
          %swap3A_86 = arith.constant 1 : i32
          %swap3A_87 = arith.index_cast %swap3A_86 : i32 to index
          %swap3A_88 = arith.index_cast %mul3A_57 : i32 to index
          %swap3A_89 = tpu.vector_load %arg10[%swap3A_87, %swap3A_88] {strides = array<i32>} : memref<3x1024xf32, #tpu.memory_space<vmem>>, vector<16xf32>,
          tpu.vector_store %arg10[%swap3A_87, %swap3A_88], %sub3A_85 {strides = array<i32>} : memref<3x1024xf32, #tpu.memory_space<vmem>>, vector<16xf32>,
          %convert_element_type3A_90 = arith.sitofp %convert_element_type3A_79 : vector<16xi32> to vector<16xf32>
          %sub3A_91 = arith.subf %add3A_77, %convert_element_type3A_90 : vector<16xf32>
          %swap3A_92 = arith.constant 2 : i32
          %swap3A_93 = arith.index_cast %swap3A_92 : i32 to index
          %swap3A_94 = arith.index_cast %mul3A_57 : i32 to index
          %swap3A_95 = tpu.vector_load %arg10[%swap3A_93, %swap3A_94] {strides = array<i32>} : memref<3x1024xf32, #tpu.memory_space<vmem>>, vector<16xf32>,
          tpu.vector_store %arg10[%swap3A_93, %swap3A_94], %sub3A_91 {strides = array<i32>} : memref<3x1024xf32, #tpu.memory_space<vmem>>, vector<16xf32>,
          %add3A_96 = arith.constant 1 : i32
          %add3A_97 = vector.broadcast %add3A_96 : i32 to vector<16xi32>
          %add3A_98 = arith.addi %convert_element_type3A, %add3A_97 : vector<16xi32>
          %mul3A_99 = arith.constant -1640531535 : i32
          %mul3A_100 = vector.broadcast %mul3A_99 : i32 to vector<16xi32>
          %mul3A_101 = arith.muli %convert_element_type3A_78, %mul3A_100 : vector<16xi32>
          %add3A_102 = arith.constant -1640531535 : i32
          %add3A_103 = vector.broadcast %add3A_102 : i32 to vector<16xi32>
          %add3A_104 = arith.addi %mul3A_101, %add3A_103 : vector<16xi32>
          %mul3A_105 = arith.constant 805459861 : i32
          %mul3A_106 = vector.broadcast %mul3A_105 : i32 to vector<16xi32>
          %mul3A_107 = arith.muli %convert_element_type3A_79, %mul3A_106 : vector<16xi32>
          %add3A_108 = arith.constant 805459861 : i32
          %add3A_109 = vector.broadcast %add3A_108 : i32 to vector<16xi32>
          %add3A_110 = arith.addi %mul3A_107, %add3A_109 : vector<16xi32>
          %xor3A = arith.xori %convert_element_type3A, %mul3A_101 : vector<16xi32>
          %xor3A_111 = arith.xori %add3A_98, %mul3A_101 : vector<16xi32>
          %xor3A_112 = arith.xori %convert_element_type3A, %add3A_104 : vector<16xi32>
          %xor3A_113 = arith.xori %add3A_98, %add3A_104 : vector<16xi32>
          %mul3A_114 = arith.constant 128 : i32
          %mul3A_115 = arith.muli %scan3A_54, %mul3A_114 : i32
          %add3A_116 = vector.broadcast %mul3A_115 : i32 to vector<16xi32>
          %add3A_117 = arith.addi %add3A_116, %mul3A_3 : vector<16xi32>
          %xor3A_118 = arith.xori %xor3A, %mul3A_107 : vector<16xi32>
          %and3A = arith.constant 524287 : i32
          %and3A_119 = vector.broadcast %and3A : i32 to vector<16xi32>
          %and3A_120 = arith.andi %xor3A_118, %and3A_119 : vector<16xi32>
          %add3A_121 = vector.broadcast %mul3A_30 : i32 to vector<16xi32>
          %add3A_122 = arith.addi %and3A_120, %add3A_121 : vector<16xi32>
          %add3A_123 = arith.constant 0 : i32
          %add3A_124 = vector.broadcast %add3A_123 : i32 to vector<16xi32>
          %add3A_125 = arith.addi %add3A_117, %add3A_124 : vector<16xi32>
          tpu.vector_store_idx %arg11[%add3A_125], %add3A_122 : memref<8192xi32, #tpu.memory_space<vmem>>[vector<16xi32>], vector<16xi32>,
          %xor3A_126 = arith.xori %xor3A_111, %mul3A_107 : vector<16xi32>
          %and3A_127 = arith.constant 524287 : i32
          %and3A_128 = vector.broadcast %and3A_127 : i32 to vector<16xi32>
          %and3A_129 = arith.andi %xor3A_126, %and3A_128 : vector<16xi32>
          %add3A_130 = vector.broadcast %mul3A_30 : i32 to vector<16xi32>
          %add3A_131 = arith.addi %and3A_129, %add3A_130 : vector<16xi32>
          %add3A_132 = arith.constant 1 : i32
          %add3A_133 = vector.broadcast %add3A_132 : i32 to vector<16xi32>
          %add3A_134 = arith.addi %add3A_117, %add3A_133 : vector<16xi32>
          tpu.vector_store_idx %arg11[%add3A_134], %add3A_131 : memref<8192xi32, #tpu.memory_space<vmem>>[vector<16xi32>], vector<16xi32>,
          %xor3A_135 = arith.xori %xor3A_112, %mul3A_107 : vector<16xi32>
          %and3A_136 = arith.constant 524287 : i32
          %and3A_137 = vector.broadcast %and3A_136 : i32 to vector<16xi32>
          %and3A_138 = arith.andi %xor3A_135, %and3A_137 : vector<16xi32>
          %add3A_139 = vector.broadcast %mul3A_30 : i32 to vector<16xi32>
          %add3A_140 = arith.addi %and3A_138, %add3A_139 : vector<16xi32>
          %add3A_141 = arith.constant 2 : i32
          %add3A_142 = vector.broadcast %add3A_141 : i32 to vector<16xi32>
          %add3A_143 = arith.addi %add3A_117, %add3A_142 : vector<16xi32>
          tpu.vector_store_idx %arg11[%add3A_143], %add3A_140 : memref<8192xi32, #tpu.memory_space<vmem>>[vector<16xi32>], vector<16xi32>,
          %xor3A_144 = arith.xori %xor3A_113, %mul3A_107 : vector<16xi32>
          %and3A_145 = arith.constant 524287 : i32
          %and3A_146 = vector.broadcast %and3A_145 : i32 to vector<16xi32>
          %and3A_147 = arith.andi %xor3A_144, %and3A_146 : vector<16xi32>
          %add3A_148 = vector.broadcast %mul3A_30 : i32 to vector<16xi32>
          %add3A_149 = arith.addi %and3A_147, %add3A_148 : vector<16xi32>
          %add3A_150 = arith.constant 3 : i32
          %add3A_151 = vector.broadcast %add3A_150 : i32 to vector<16xi32>
          %add3A_152 = arith.addi %add3A_117, %add3A_151 : vector<16xi32>
          tpu.vector_store_idx %arg11[%add3A_152], %add3A_149 : memref<8192xi32, #tpu.memory_space<vmem>>[vector<16xi32>], vector<16xi32>,
          %xor3A_153 = arith.xori %xor3A, %add3A_110 : vector<16xi32>
          %and3A_154 = arith.constant 524287 : i32
          %and3A_155 = vector.broadcast %and3A_154 : i32 to vector<16xi32>
          %and3A_156 = arith.andi %xor3A_153, %and3A_155 : vector<16xi32>
          %add3A_157 = vector.broadcast %mul3A_30 : i32 to vector<16xi32>
          %add3A_158 = arith.addi %and3A_156, %add3A_157 : vector<16xi32>
          %add3A_159 = arith.constant 4 : i32
          %add3A_160 = vector.broadcast %add3A_159 : i32 to vector<16xi32>
          %add3A_161 = arith.addi %add3A_117, %add3A_160 : vector<16xi32>
          tpu.vector_store_idx %arg11[%add3A_161], %add3A_158 : memref<8192xi32, #tpu.memory_space<vmem>>[vector<16xi32>], vector<16xi32>,
          %xor3A_162 = arith.xori %xor3A_111, %add3A_110 : vector<16xi32>
          %and3A_163 = arith.constant 524287 : i32
          %and3A_164 = vector.broadcast %and3A_163 : i32 to vector<16xi32>
          %and3A_165 = arith.andi %xor3A_162, %and3A_164 : vector<16xi32>
          %add3A_166 = vector.broadcast %mul3A_30 : i32 to vector<16xi32>
          %add3A_167 = arith.addi %and3A_165, %add3A_166 : vector<16xi32>
          %add3A_168 = arith.constant 5 : i32
          %add3A_169 = vector.broadcast %add3A_168 : i32 to vector<16xi32>
          %add3A_170 = arith.addi %add3A_117, %add3A_169 : vector<16xi32>
          tpu.vector_store_idx %arg11[%add3A_170], %add3A_167 : memref<8192xi32, #tpu.memory_space<vmem>>[vector<16xi32>], vector<16xi32>,
          %xor3A_171 = arith.xori %xor3A_112, %add3A_110 : vector<16xi32>
          %and3A_172 = arith.constant 524287 : i32
          %and3A_173 = vector.broadcast %and3A_172 : i32 to vector<16xi32>
          %and3A_174 = arith.andi %xor3A_171, %and3A_173 : vector<16xi32>
          %add3A_175 = vector.broadcast %mul3A_30 : i32 to vector<16xi32>
          %add3A_176 = arith.addi %and3A_174, %add3A_175 : vector<16xi32>
          %add3A_177 = arith.constant 6 : i32
          %add3A_178 = vector.broadcast %add3A_177 : i32 to vector<16xi32>
          %add3A_179 = arith.addi %add3A_117, %add3A_178 : vector<16xi32>
          tpu.vector_store_idx %arg11[%add3A_179], %add3A_176 : memref<8192xi32, #tpu.memory_space<vmem>>[vector<16xi32>], vector<16xi32>,
          %xor3A_180 = arith.xori %xor3A_113, %add3A_110 : vector<16xi32>
          %and3A_181 = arith.constant 524287 : i32
          %and3A_182 = vector.broadcast %and3A_181 : i32 to vector<16xi32>
          %and3A_183 = arith.andi %xor3A_180, %and3A_182 : vector<16xi32>
          %add3A_184 = vector.broadcast %mul3A_30 : i32 to vector<16xi32>
          %add3A_185 = arith.addi %and3A_183, %add3A_184 : vector<16xi32>
          %add3A_186 = arith.constant 7 : i32
          %add3A_187 = vector.broadcast %add3A_186 : i32 to vector<16xi32>
          %add3A_188 = arith.addi %add3A_117, %add3A_187 : vector<16xi32>
          tpu.vector_store_idx %arg11[%add3A_188], %add3A_185 : memref<8192xi32, #tpu.memory_space<vmem>>[vector<16xi32>], vector<16xi32>,
          %mul3A_189 = arith.constant 128 : i32
          %mul3A_190 = arith.muli %scan3A_54, %mul3A_189 : i32
          %mul3A_191 = arith.constant 128 : i32
          %mul3A_192 = arith.muli %scan3A_54, %mul3A_191 : i32
          %dma_start3A = arith.constant 0 : i32
          %dma_start3A_193 = tpu.memref_slice %arg12[%mul3A_192, %dma_start3A] : memref<8192x2xf32, #tpu.memory_space<vmem>> -> memref<128x2xf32, #tpu.memory_space<vmem>>
          %dma_start3A_194 = tpu.memref_slice %arg11[%mul3A_190] : memref<8192xi32, #tpu.memory_space<vmem>> -> memref<128xi32, #tpu.memory_space<vmem>>
          %dma_start3A_195 = arith.constant 0 : i32
          %dma_start3A_196 = arith.constant 0 : i32
          %dma_start3A_197 = tpu.memref_slice %arg5[%dma_start3A_195, %dma_start3A_196] : memref<8388608x2xf32, #tpu.memory_space<hbm>> -> memref<8388608x2xf32, #tpu.memory_space<hbm>>
          tpu.enqueue_indirect_dma source(%dma_start3A_197 : memref<8388608x2xf32, #tpu.memory_space<hbm>>) target(%dma_start3A_193 : memref<128x2xf32, #tpu.memory_space<vmem>>) offsets(%dma_start3A_194 : memref<128xi32, #tpu.memory_space<vmem>>) semaphore(%arg14 : memref<!tpu.dma_semaphore, #tpu.memory_space<semaphore_mem>>)
          %scan3A_198 = arith.constant 0 : i32
          scf.yield %scan3A_198 : i32
        }
        %scan3A_37 = arith.constant 64 : i32
        %scan3A_38 = arith.constant 0 : i32
        %scan3A_39 = arith.constant 0 : i32
        %scan3A_40 = arith.constant 64 : i32
        %scan3A_41 = arith.addi %scan3A_39, %scan3A_40 : i32
        %scan3A_42 = arith.constant 1 : i32
        %scan3A_43 = scf.for %scan3A_54 = %scan3A_39 to %scan3A_41 step %scan3A_42 iter_args(%scan3A_55 = %scan3A_38) -> (i32)  : i32 {
          %mul3A_56 = arith.constant 128 : i32
          %mul3A_57 = arith.muli %scan3A_54, %mul3A_56 : i32
          %mul3A_58 = arith.constant 128 : i32
          %mul3A_59 = arith.muli %scan3A_54, %mul3A_58 : i32
          %dma_wait3A = arith.constant 0 : i32
          %dma_wait3A_60 = tpu.memref_slice %arg12[%mul3A_59, %dma_wait3A] : memref<8192x2xf32, #tpu.memory_space<vmem>> -> memref<128x2xf32, #tpu.memory_space<vmem>>
          %dma_wait3A_61 = tpu.memref_slice %arg11[%mul3A_57] : memref<8192xi32, #tpu.memory_space<vmem>> -> memref<128xi32, #tpu.memory_space<vmem>>
          %dma_wait3A_62 = arith.constant 0 : i32
          %dma_wait3A_63 = arith.constant 0 : i32
          %dma_wait3A_64 = tpu.memref_slice %arg5[%dma_wait3A_62, %dma_wait3A_63] : memref<8388608x2xf32, #tpu.memory_space<hbm>> -> memref<8388608x2xf32, #tpu.memory_space<hbm>>
          tpu.wait_indirect_dma semaphore(%arg14 : memref<!tpu.dma_semaphore, #tpu.memory_space<semaphore_mem>>) src(%dma_wait3A_64 : memref<8388608x2xf32, #tpu.memory_space<hbm>>) dst(%dma_wait3A_60 : memref<128x2xf32, #tpu.memory_space<vmem>>)
          %scan3A_65 = arith.constant 0 : i32
          scf.yield %scan3A_65 : i32
        }
        %scan3A_44 = arith.constant 64 : i32
        %scan3A_45 = arith.constant 0 : i32
        %scan3A_46 = arith.constant 0 : i32
        %scan3A_47 = arith.constant 64 : i32
        %scan3A_48 = arith.addi %scan3A_46, %scan3A_47 : i32
        %scan3A_49 = arith.constant 1 : i32
        %scan3A_50 = scf.for %scan3A_54 = %scan3A_46 to %scan3A_48 step %scan3A_49 iter_args(%scan3A_55 = %scan3A_45) -> (i32)  : i32 {
          %mul3A_56 = arith.constant 16 : i32
          %mul3A_57 = arith.muli %scan3A_54, %mul3A_56 : i32
          %get3A = arith.constant 0 : i32
          %get3A_58 = arith.index_cast %get3A : i32 to index
          %get3A_59 = arith.index_cast %mul3A_57 : i32 to index
          %get3A_60 = tpu.vector_load %arg10[%get3A_58, %get3A_59] {strides = array<i32>} : memref<3x1024xf32, #tpu.memory_space<vmem>>, vector<16xf32>,
          %get3A_61 = arith.constant 1 : i32
          %get3A_62 = arith.index_cast %get3A_61 : i32 to index
          %get3A_63 = arith.index_cast %mul3A_57 : i32 to index
          %get3A_64 = tpu.vector_load %arg10[%get3A_62, %get3A_63] {strides = array<i32>} : memref<3x1024xf32, #tpu.memory_space<vmem>>, vector<16xf32>,
          %get3A_65 = arith.constant 2 : i32
          %get3A_66 = arith.index_cast %get3A_65 : i32 to index
          %get3A_67 = arith.index_cast %mul3A_57 : i32 to index
          %get3A_68 = tpu.vector_load %arg10[%get3A_66, %get3A_67] {strides = array<i32>} : memref<3x1024xf32, #tpu.memory_space<vmem>>, vector<16xf32>,
          %sub3A = arith.constant 1.000000e+00 : f32
          %sub3A_69 = vector.broadcast %sub3A : f32 to vector<16xf32>
          %sub3A_70 = arith.subf %sub3A_69, %get3A_60 : vector<16xf32>
          %sub3A_71 = arith.constant 1.000000e+00 : f32
          %sub3A_72 = vector.broadcast %sub3A_71 : f32 to vector<16xf32>
          %sub3A_73 = arith.subf %sub3A_72, %get3A_64 : vector<16xf32>
          %sub3A_74 = arith.constant 1.000000e+00 : f32
          %sub3A_75 = vector.broadcast %sub3A_74 : f32 to vector<16xf32>
          %sub3A_76 = arith.subf %sub3A_75, %get3A_68 : vector<16xf32>
          %mul3A_77 = arith.constant 128 : i32
          %mul3A_78 = arith.muli %scan3A_54, %mul3A_77 : i32
          %add3A_79 = vector.broadcast %mul3A_78 : i32 to vector<16xi32>
          %add3A_80 = arith.addi %add3A_79, %mul3A_3 : vector<16xi32>
          %broadcast_in_dim3A = arith.constant 0 : i32
          %broadcast_in_dim3A_81 = vector.broadcast %broadcast_in_dim3A : i32 to vector<16xi32>
          %add3A_82 = arith.constant 1 : i32
          %add3A_83 = vector.broadcast %add3A_82 : i32 to vector<16xi32>
          %add3A_84 = arith.addi %broadcast_in_dim3A_81, %add3A_83 : vector<16xi32>
          %add3A_85 = arith.constant 0 : i32
          %add3A_86 = vector.broadcast %add3A_85 : i32 to vector<16xi32>
          %add3A_87 = arith.addi %add3A_80, %add3A_86 : vector<16xi32>
          %gather3A = tpu.vector_load_idx %arg12[%add3A_87, %broadcast_in_dim3A_81] : memref<8192x2xf32, #tpu.memory_space<vmem>>[vector<16xi32>, vector<16xi32>], vector<16xf32>,
          %gather3A_88 = tpu.vector_load_idx %arg12[%add3A_87, %add3A_84] : memref<8192x2xf32, #tpu.memory_space<vmem>>[vector<16xi32>, vector<16xi32>], vector<16xf32>,
          %add3A_89 = arith.constant 1 : i32
          %add3A_90 = vector.broadcast %add3A_89 : i32 to vector<16xi32>
          %add3A_91 = arith.addi %add3A_80, %add3A_90 : vector<16xi32>
          %gather3A_92 = tpu.vector_load_idx %arg12[%add3A_91, %broadcast_in_dim3A_81] : memref<8192x2xf32, #tpu.memory_space<vmem>>[vector<16xi32>, vector<16xi32>], vector<16xf32>,
          %gather3A_93 = tpu.vector_load_idx %arg12[%add3A_91, %add3A_84] : memref<8192x2xf32, #tpu.memory_space<vmem>>[vector<16xi32>, vector<16xi32>], vector<16xf32>,
          %add3A_94 = arith.constant 2 : i32
          %add3A_95 = vector.broadcast %add3A_94 : i32 to vector<16xi32>
          %add3A_96 = arith.addi %add3A_80, %add3A_95 : vector<16xi32>
          %gather3A_97 = tpu.vector_load_idx %arg12[%add3A_96, %broadcast_in_dim3A_81] : memref<8192x2xf32, #tpu.memory_space<vmem>>[vector<16xi32>, vector<16xi32>], vector<16xf32>,
          %gather3A_98 = tpu.vector_load_idx %arg12[%add3A_96, %add3A_84] : memref<8192x2xf32, #tpu.memory_space<vmem>>[vector<16xi32>, vector<16xi32>], vector<16xf32>,
          %add3A_99 = arith.constant 3 : i32
          %add3A_100 = vector.broadcast %add3A_99 : i32 to vector<16xi32>
          %add3A_101 = arith.addi %add3A_80, %add3A_100 : vector<16xi32>
          %gather3A_102 = tpu.vector_load_idx %arg12[%add3A_101, %broadcast_in_dim3A_81] : memref<8192x2xf32, #tpu.memory_space<vmem>>[vector<16xi32>, vector<16xi32>], vector<16xf32>,
          %gather3A_103 = tpu.vector_load_idx %arg12[%add3A_101, %add3A_84] : memref<8192x2xf32, #tpu.memory_space<vmem>>[vector<16xi32>, vector<16xi32>], vector<16xf32>,
          %add3A_104 = arith.constant 4 : i32
          %add3A_105 = vector.broadcast %add3A_104 : i32 to vector<16xi32>
          %add3A_106 = arith.addi %add3A_80, %add3A_105 : vector<16xi32>
          %gather3A_107 = tpu.vector_load_idx %arg12[%add3A_106, %broadcast_in_dim3A_81] : memref<8192x2xf32, #tpu.memory_space<vmem>>[vector<16xi32>, vector<16xi32>], vector<16xf32>,
          %gather3A_108 = tpu.vector_load_idx %arg12[%add3A_106, %add3A_84] : memref<8192x2xf32, #tpu.memory_space<vmem>>[vector<16xi32>, vector<16xi32>], vector<16xf32>,
          %add3A_109 = arith.constant 5 : i32
          %add3A_110 = vector.broadcast %add3A_109 : i32 to vector<16xi32>
          %add3A_111 = arith.addi %add3A_80, %add3A_110 : vector<16xi32>
          %gather3A_112 = tpu.vector_load_idx %arg12[%add3A_111, %broadcast_in_dim3A_81] : memref<8192x2xf32, #tpu.memory_space<vmem>>[vector<16xi32>, vector<16xi32>], vector<16xf32>,
          %gather3A_113 = tpu.vector_load_idx %arg12[%add3A_111, %add3A_84] : memref<8192x2xf32, #tpu.memory_space<vmem>>[vector<16xi32>, vector<16xi32>], vector<16xf32>,
          %add3A_114 = arith.constant 6 : i32
          %add3A_115 = vector.broadcast %add3A_114 : i32 to vector<16xi32>
          %add3A_116 = arith.addi %add3A_80, %add3A_115 : vector<16xi32>
          %gather3A_117 = tpu.vector_load_idx %arg12[%add3A_116, %broadcast_in_dim3A_81] : memref<8192x2xf32, #tpu.memory_space<vmem>>[vector<16xi32>, vector<16xi32>], vector<16xf32>,
          %gather3A_118 = tpu.vector_load_idx %arg12[%add3A_116, %add3A_84] : memref<8192x2xf32, #tpu.memory_space<vmem>>[vector<16xi32>, vector<16xi32>], vector<16xf32>,
          %add3A_119 = arith.constant 7 : i32
          %add3A_120 = vector.broadcast %add3A_119 : i32 to vector<16xi32>
          %add3A_121 = arith.addi %add3A_80, %add3A_120 : vector<16xi32>
          %gather3A_122 = tpu.vector_load_idx %arg12[%add3A_121, %broadcast_in_dim3A_81] : memref<8192x2xf32, #tpu.memory_space<vmem>>[vector<16xi32>, vector<16xi32>], vector<16xf32>,
          %gather3A_123 = tpu.vector_load_idx %arg12[%add3A_121, %add3A_84] : memref<8192x2xf32, #tpu.memory_space<vmem>>[vector<16xi32>, vector<16xi32>], vector<16xf32>,
          %add3A_124 = vector.broadcast %mul3A_57 : i32 to vector<16xi32>
          %add3A_125 = arith.addi %add3A_124, %iota3A : vector<16xi32>
          %mul3A_126 = arith.mulf %gather3A, %sub3A_70 : vector<16xf32>
          %mul3A_127 = arith.mulf %gather3A_92, %get3A_60 : vector<16xf32>
          %add3A_128 = arith.addf %mul3A_126, %mul3A_127 : vector<16xf32>
          %mul3A_129 = arith.mulf %gather3A_97, %sub3A_70 : vector<16xf32>
          %mul3A_130 = arith.mulf %gather3A_102, %get3A_60 : vector<16xf32>
          %add3A_131 = arith.addf %mul3A_129, %mul3A_130 : vector<16xf32>
          %mul3A_132 = arith.mulf %gather3A_107, %sub3A_70 : vector<16xf32>
          %mul3A_133 = arith.mulf %gather3A_112, %get3A_60 : vector<16xf32>
          %add3A_134 = arith.addf %mul3A_132, %mul3A_133 : vector<16xf32>
          %mul3A_135 = arith.mulf %gather3A_117, %sub3A_70 : vector<16xf32>
          %mul3A_136 = arith.mulf %gather3A_122, %get3A_60 : vector<16xf32>
          %add3A_137 = arith.addf %mul3A_135, %mul3A_136 : vector<16xf32>
          %mul3A_138 = arith.mulf %add3A_128, %sub3A_73 : vector<16xf32>
          %mul3A_139 = arith.mulf %add3A_131, %get3A_64 : vector<16xf32>
          %add3A_140 = arith.addf %mul3A_138, %mul3A_139 : vector<16xf32>
          %mul3A_141 = arith.mulf %add3A_134, %sub3A_73 : vector<16xf32>
          %mul3A_142 = arith.mulf %add3A_137, %get3A_64 : vector<16xf32>
          %add3A_143 = arith.addf %mul3A_141, %mul3A_142 : vector<16xf32>
          %mul3A_144 = arith.mulf %add3A_140, %sub3A_76 : vector<16xf32>
          %mul3A_145 = arith.mulf %add3A_143, %get3A_68 : vector<16xf32>
          %add3A_146 = arith.addf %mul3A_144, %mul3A_145 : vector<16xf32>
          %mul3A_147 = arith.constant 32 : i32
          %mul3A_148 = vector.broadcast %mul3A_147 : i32 to vector<16xi32>
          %mul3A_149 = arith.muli %add3A_125, %mul3A_148 : vector<16xi32>
          %mul3A_150 = arith.constant 2 : i32
          %mul3A_151 = arith.muli %mul3A_150, %scan3A_27 : i32
          %add3A_152 = vector.broadcast %mul3A_151 : i32 to vector<16xi32>
          %add3A_153 = arith.addi %mul3A_149, %add3A_152 : vector<16xi32>
          %add3A_154 = arith.constant 0 : i32
          %add3A_155 = vector.broadcast %add3A_154 : i32 to vector<16xi32>
          %add3A_156 = arith.addi %add3A_153, %add3A_155 : vector<16xi32>
          tpu.vector_store_idx %arg13[%add3A_156], %add3A_146 : memref<32768xf32, #tpu.memory_space<vmem>>[vector<16xi32>], vector<16xf32>,
          %mul3A_157 = arith.mulf %gather3A_88, %sub3A_70 : vector<16xf32>
          %mul3A_158 = arith.mulf %gather3A_93, %get3A_60 : vector<16xf32>
          %add3A_159 = arith.addf %mul3A_157, %mul3A_158 : vector<16xf32>
          %mul3A_160 = arith.mulf %gather3A_98, %sub3A_70 : vector<16xf32>
          %mul3A_161 = arith.mulf %gather3A_103, %get3A_60 : vector<16xf32>
          %add3A_162 = arith.addf %mul3A_160, %mul3A_161 : vector<16xf32>
          %mul3A_163 = arith.mulf %gather3A_108, %sub3A_70 : vector<16xf32>
          %mul3A_164 = arith.mulf %gather3A_113, %get3A_60 : vector<16xf32>
          %add3A_165 = arith.addf %mul3A_163, %mul3A_164 : vector<16xf32>
          %mul3A_166 = arith.mulf %gather3A_118, %sub3A_70 : vector<16xf32>
          %mul3A_167 = arith.mulf %gather3A_123, %get3A_60 : vector<16xf32>
          %add3A_168 = arith.addf %mul3A_166, %mul3A_167 : vector<16xf32>
          %mul3A_169 = arith.mulf %add3A_159, %sub3A_73 : vector<16xf32>
          %mul3A_170 = arith.mulf %add3A_162, %get3A_64 : vector<16xf32>
          %add3A_171 = arith.addf %mul3A_169, %mul3A_170 : vector<16xf32>
          %mul3A_172 = arith.mulf %add3A_165, %sub3A_73 : vector<16xf32>
          %mul3A_173 = arith.mulf %add3A_168, %get3A_64 : vector<16xf32>
          %add3A_174 = arith.addf %mul3A_172, %mul3A_173 : vector<16xf32>
          %mul3A_175 = arith.mulf %add3A_171, %sub3A_76 : vector<16xf32>
          %mul3A_176 = arith.mulf %add3A_174, %get3A_68 : vector<16xf32>
          %add3A_177 = arith.addf %mul3A_175, %mul3A_176 : vector<16xf32>
          %mul3A_178 = arith.constant 32 : i32
          %mul3A_179 = vector.broadcast %mul3A_178 : i32 to vector<16xi32>
          %mul3A_180 = arith.muli %add3A_125, %mul3A_179 : vector<16xi32>
          %mul3A_181 = arith.constant 2 : i32
          %mul3A_182 = arith.muli %mul3A_181, %scan3A_27 : i32
          %add3A_183 = vector.broadcast %mul3A_182 : i32 to vector<16xi32>
          %add3A_184 = arith.addi %mul3A_180, %add3A_183 : vector<16xi32>
          %add3A_185 = arith.constant 1 : i32
          %add3A_186 = vector.broadcast %add3A_185 : i32 to vector<16xi32>
          %add3A_187 = arith.addi %add3A_184, %add3A_186 : vector<16xi32>
          tpu.vector_store_idx %arg13[%add3A_187], %add3A_177 : memref<32768xf32, #tpu.memory_space<vmem>>[vector<16xi32>], vector<16xf32>,
          %scan3A_188 = arith.constant 0 : i32
          scf.yield %scan3A_188 : i32
        }
        %scan3A_51 = arith.constant 64 : i32
        %mul3A_52 = arith.constant 2.000000e+00 : f32
        %mul3A_53 = arith.mulf %scan3A_28, %mul3A_52 : f32
        scf.yield %mul3A_53 : f32
      }
      %scan3A_23 = arith.constant 16 : i32
      %mul3A_24 = arith.constant 32 : i32
      %mul3A_25 = arith.muli %add3A_16, %mul3A_24 : i32
      "tpu.region"() ({
        %run_scoped3A = tpu.sem_alloc : memref<!tpu.dma_semaphore, #tpu.memory_space<semaphore_mem>>
        %dma_start3A = tpu.memref_slice %arg6[%mul3A_25] : memref<16777216xf32, #tpu.memory_space<hbm>> -> memref<32768xf32, #tpu.memory_space<hbm>>
        %dma_start3A_27 = tpu.memref_slice %arg6[%mul3A_25] : memref<16777216xf32, #tpu.memory_space<hbm>> -> memref<32768xf32, #tpu.memory_space<hbm>>
        tpu.enqueue_dma source(%arg13 : memref<32768xf32, #tpu.memory_space<vmem>>) target(%dma_start3A_27 : memref<32768xf32, #tpu.memory_space<hbm>>) target_semaphore(%run_scoped3A : memref<!tpu.dma_semaphore, #tpu.memory_space<semaphore_mem>>)
        %dma_wait3A = tpu.memref_slice %arg6[%mul3A_25] : memref<16777216xf32, #tpu.memory_space<hbm>> -> memref<32768xf32, #tpu.memory_space<hbm>>
        %dma_wait3A_28 = tpu.memref_slice %arg6[%mul3A_25] : memref<16777216xf32, #tpu.memory_space<hbm>> -> memref<32768xf32, #tpu.memory_space<hbm>>
        tpu.wait_dma2 semaphore(%run_scoped3A : memref<!tpu.dma_semaphore, #tpu.memory_space<semaphore_mem>>) src(%arg13 : memref<32768xf32, #tpu.memory_space<vmem>>) dst(%dma_wait3A_28 : memref<32768xf32, #tpu.memory_space<hbm>>)
        tpu.yield
      }) : () -> ()
      %scan3A_26 = arith.constant 0 : i32
      scf.yield %scan3A_26 : i32
    }
    %scan3A_9 = arith.constant 16 : i32
    return
  }
}

</mosaic_0001>

<sc_bundles>
// kernel: _encode.3.cloned.1.call-start
scs
__scs_entry_jumppad:
0x0: {  	(pc) =	sbr.rel $0x88, $3  }
0x1: {  	(tag) =	ssettag $0x0;
	lr =	simm.s32 $0x1  }
0x2: {  	[smem:$0x3F9D] =	sst lr;
	_ =	strace $0xD0000000  }
0x3: {  	_ = 	snop  }
0x4: {  	_ = 	snop  }
0x5: {  	_ = 	snop  }
0x6: {  	_ = 	snop  }
0x7: {  	_ = 	snop  }
__scs_overlays_trampoline_lowered:
0x8: {  	[smem:$0x3FAC] =	sst s0  }
0x9: {  	[smem:$0x3FAD] =	sst s1  }
0xa: {  	[smem:$0x3FAE] =	sst s2  }
0xb: {  	[smem:$0x3FAF] =	sst s3  }
0xc: {  	[smem:$0x3FB0] =	sst s4  }
0xd: {  	[smem:$0x3FB1] =	sst s5  }
0xe: {  	[smem:$0x3FB2] =	sst s6  }
0xf: {  	[smem:$0x3FB3] =	sst s7  }
0x10: {  	[smem:$0x3FB4] =	sst s8  }
0x11: {  	[smem:$0x3FB5] =	sst s9;
	s0 =	simm.s32 @!p0 $0x0  }
0x12: {  	s1 =	sld [smem:$0x3F9B];
	s0 =	simm.s32 @p0 $0x1  }
0x13: {  	[smem:$0x3FB6] =	sst s0;
	s0 =	simm.s32 @!p1 $0x0  }
0x14: {  	s2 =	sld [smem:$0x3F9A];
	s0 =	simm.s32 @p1 $0x1  }
0x15: {  	[smem:$0x3FB7] =	sst s0;
	s0 =	simm.s32 @!p2 $0x0  }
0x16: {  	s3 =	sld [smem:$0x3FDB];
	s0 =	simm.s32 @p2 $0x1  }
0x17: {  	s4 =	simm.s32 $0x1BF5;
	[smem:$0x3FB9] =	sst s0  }
0x18: {  	s0 =	sld [smem:$0x3F9C];
	_ =	swait.ge [sflag:s4], $0x0  }
0x19: {  	s7 =	sld [smem:$0x3F9D]  }
0x1a: {  	s8 =	sadd.s32 $0xFFFFE003, lr  }
0x1b: {  	s9 =	sadd.s32 $0xFFFFFEF7, lr;
	s5 =	simm.s32 $0xFFFFFFFF;
	p2 =	slt.u32 s8, $0xFFFFF086  }
0x1c: {  	p1 =	slt.u32 s9, $0xF7A;
	s5 =	simm.s32 @!p2 $0x0  }
0x1d: {  	s5 =	simm.s32 @p1 $0x1;
	p0 =	seq.s32 s7, s2  }
0x1e: {  	s7 =	smul.u32 @!p0 $0xF7A, s2;
	p2 =	seq.s32 @!p0 s5, $0x0  }
0x1f: {  	s9 =	smul.u32 $0xF7A, s1;
	s8 =	simm.s32 @!p0 $0x1BF5;
	p2 =	por !p2, p0  }
0x20: {  	[sflag:s8] =	ssyncset.s32 @!p0 $0xFFFFF086;
	s6 =	sadd.s32 @!p0 s3, s7;
	s7 =	simm.s32 @!p0 $0x108  }
0x21: {  	s3 =	sadd.s32 s3, s9;
	s6 =	sadd.s32 @!p0 $0x88, s6;
	s7 =	simm.s32 @p2 $0x1082  }
0x22: {  	[simem:s7], [sflag:s8] =	dma.local @!p0 [hbm:s6], $0xF7A  }
0x23: {  	s9 =	sor.u32 $0xD0000000, s2;
	s6 =	simm.s32 $0x108;
	_ =	swait.ge @!p0 [sflag:s8], $0x0  }
0x24: {  	s3 =	sadd.s32 $0x88, s3;
	s6 =	simm.s32 @!p1 $0x1082;
	[sflag:s4] =	ssyncset.s32 $0xFFFFF086  }
0x25: {  	[simem:s6], [sflag:s4] =	dma.local [hbm:s3], $0xF7A  }
0x26: {  	[smem:$0x3F9D] =	sst s1;
	(tag) =	ssettag s2;
	_ =	strace s9  }
0x27: {  	s1 =	sld [smem:$0x3FAD]  }
0x28: {  	s2 =	sld [smem:$0x3FAE]  }
0x29: {  	s4 =	sld [smem:$0x3FB0]  }
0x2a: {  	p0 =	seq.s32 s5, $0x0;
	s5 =	sld [smem:$0x3FB1]  }
0x2b: {  	s6 =	sld [smem:$0x3FB2]  }
0x2c: {  	s7 =	sld [smem:$0x3FB3]  }
0x2d: {  	s3 =	simm.s32 $0x108;
	s8 =	sld [smem:$0x3FB4]  }
0x2e: {  	s3 =	simm.s32 @!p0 $0x1082;
	s9 =	sld [smem:$0x3FB5]  }
0x2f: {  	lr =	sadd.s32 s0, s3;
	s0 =	sld [smem:$0x3FAC]  }
0x30: {  	s3 =	sld [smem:$0x3FAF]  }
0x31: {  	[smem:$0x3FB8] =	sst s10  }
0x32: {  	s10 =	sld [smem:$0x3FB6];
	_ =	sdelay $0x3  }
0x33: {  	p0 =	seq.s32 s10, $0x1;
	s10 =	sld [smem:$0x3FB8];
	_ =	sdelay $0x3  }
0x34: {  	[smem:$0x3FB8] =	sst s10  }
0x35: {  	s10 =	sld [smem:$0x3FB7];
	_ =	sdelay $0x3  }
0x36: {  	p1 =	seq.s32 s10, $0x1;
	s10 =	sld [smem:$0x3FB8];
	_ =	sdelay $0x3  }
0x37: {  	[smem:$0x3FB8] =	sst s10  }
0x38: {  	s10 =	sld [smem:$0x3FB9]  }
0x39: {  	_ = 	snop;
	(pc) =	sbr.ind lr, $3  }
0x3a: {  	_ = 	snop  }
0x3b: {  	_ = 	snop  }
0x3c: {  	p2 =	seq.s32 s10, $0x1;
	s10 =	sld [smem:$0x3FB8]  }
0x3d: {  	_ =	shalt  }
0x3e: {  	_ =	shalt  }
0x3f: {  	_ =	shalt  }
0x40: {  	_ =	shalt  }
0x41: {  	_ =	shalt  }
0x42: {  	_ =	shalt  }
0x43: {  	_ =	shalt  }
0x44: {  	_ =	shalt  }
0x45: {  	_ =	shalt  }
0x46: {  	_ =	shalt  }
0x47: {  	_ =	shalt  }
0x48: {  	_ =	shalt  }
0x49: {  	_ =	shalt  }
0x4a: {  	_ =	shalt  }
0x4b: {  	_ =	shalt  }
0x4c: {  	_ =	shalt  }
0x4d: {  	_ =	shalt  }
0x4e: {  	_ =	shalt  }
0x4f: {  	_ =	shalt  }
0x50: {  	_ =	shalt  }
0x51: {  	_ =	shalt  }
0x52: {  	_ =	shalt  }
0x53: {  	_ =	shalt  }
0x54: {  	_ =	shalt  }
0x55: {  	_ =	shalt  }
0x56: {  	_ =	shalt  }
0x57: {  	_ =	shalt  }
0x58: {  	_ =	shalt  }
0x59: {  	_ =	shalt  }
0x5a: {  	_ =	shalt  }
0x5b: {  	_ =	shalt  }
0x5c: {  	_ =	shalt  }
0x5d: {  	_ =	shalt  }
0x5e: {  	_ =	shalt  }
0x5f: {  	_ =	shalt  }
0x60: {  	_ =	shalt  }
0x61: {  	_ =	shalt  }
0x62: {  	_ =	shalt  }
0x63: {  	_ =	shalt  }
0x64: {  	_ =	shalt  }
0x65: {  	_ =	shalt  }
0x66: {  	_ =	shalt  }
0x67: {  	_ =	shalt  }
0x68: {  	_ =	shalt  }
0x69: {  	_ =	shalt  }
0x6a: {  	_ =	shalt  }
0x6b: {  	_ =	shalt  }
0x6c: {  	_ =	shalt  }
0x6d: {  	_ =	shalt  }
0x6e: {  	_ =	shalt  }
0x6f: {  	_ =	shalt  }
0x70: {  	_ =	shalt  }
0x71: {  	_ =	shalt  }
0x72: {  	_ =	shalt  }
0x73: {  	_ =	shalt  }
0x74: {  	_ =	shalt  }
0x75: {  	_ =	shalt  }
0x76: {  	_ =	shalt  }
0x77: {  	_ =	shalt  }
0x78: {  	_ =	shalt  }
0x79: {  	_ =	shalt  }
0x7a: {  	_ =	shalt  }
0x7b: {  	_ =	shalt  }
0x7c: {  	_ =	shalt  }
0x7d: {  	_ =	shalt  }
0x7e: {  	_ =	shalt  }
0x7f: {  	_ =	shalt  }
0x80: {  	_ =	shalt  }
0x81: {  	_ =	shalt  }
0x82: {  	_ =	shalt  }
0x83: {  	_ =	shalt  }
0x84: {  	_ =	shalt  }
0x85: {  	_ =	shalt  }
0x86: {  	_ =	shalt  }
0x87: {  	_ =	shalt  }
.Lfunc_end0:
.L_simem_size_0:
called_computation_lowered:
.L_overlay_start_0:
0x88: {  	s2 =	sld [smem:$0x3FD9]  }
0x89: {  	s3 =	sld [smem:$0x3FFE];
	_ =	sdelay $0x1  }
0x8a: {  	s1 =	srdreg.scid  }
0x8b: {  	s0 =	sand.u32 $0x1, s1  }
0x8c: {  	s17 =	sshll.u32 s0, $0xA;
	s2 =	sadd.s32 s3, s2  }
0x8d: {  	s2 =	sadd.s32 s2, s17  }
0x8e: {  	[smem:$0x3FC4] =	sst s2  }
0x8f: {  	_ = 	snop  }
0x90: {  	s2 =	sld [smem:$0x3FC9]  }
0x91: {  	s18 =	sld [smem:$0x3FC8]  }
0x92: {  	s4 =	sld [smem:$0x3FC7]  }
0x93: {  	s5 =	sld [smem:$0x3FD0];
	(tm) =	ssettm $0x1  }
0x94: {  	s6 =	sld [smem:$0x3FFB];
	_ =	sdelay $0x3  }
0x95: {  	_ =	strace s6  }
0x96: {  	s6 =	sld [smem:$0x3FFC];
	_ =	sdelay $0x3  }
0x97: {  	_ =	strace s6  }
0x98: {  	s6 =	sld [smem:$0x3FFD];
	_ =	sdelay $0x3  }
0x99: {  	_ =	strace s6  }
0x9a: {  	_ =	strace $0x8FFFFFFF  }
0x9b: {  	s19 =	sld [smem:$0x3FDB];
	_ =	sdelay $0x1  }
0x9c: {  	s7 =	simm.s32 $_scs_section_size  }
0x9d: {  	s8 =	simm.s32 $_size__tile_overlayer_lowered;
	s9 =	simm.s32 $_tile_overlayer_lowered  }
0x9e: {  	s22 =	simm.s32 $0x1BFF;
	s21 =	sshll.u32 s9, $0x1;
	s6 =	sadd.s32 s7, s19  }
0x9f: {  	s10 =	simm.s32 $0x0;
	s20 =	sshll.u32 s8, $0x1;
	s8 =	sadd.s32 s21, s6  }
0xa0: {  	[timem:s10], [sflag:s22] =	dma.local [hbm:s8], s20  }
0xa1: {  	_ =	swait.ge [sflag:s22], s20  }
0xa2: {  	s7 =	ssub.s32 $0x0, s20;
	[sflag:s22] =	ssyncset.done $0x0  }
0xa3: {  	[sflag:s22] =	ssyncadd.s32 s7;
	_ =	sdelay $0x1  }
0xa4: {  	s23 =	simm.s32 $0x1B8B  }
0xa5: {  	_ =	swait.ge [sflag:s23], $0x1  }
0xa6: {  	[sflag:s23] =	ssyncset.done $0x0  }
0xa7: {  	s25 =	simm.s32 $0x1B8E;
	s24 =	sld [smem:$0x3FFE];
	[sflag:s23] =	ssyncadd.s32 $0xFFFFFFFF  }
0xa8: {  	s26 =	simm.s32 $execute0_lowered;
	[smem:$0x3FD2] =	sst s25  }
0xa9: {  	s8 =	sshll.u32 s26, $0x1;
	_ =	strace $0x80000046;
	[dreg:$0x1] =	wrdreg $0xFFFFFFFF  }
0xaa: {  	s28 =	simm.s32 $_size_execute0_lowered;
	s6 =	sadd.s32 s6, s8;
	[dreg:$0x0] =	wrdreg $0x0  }
0xab: {  	s8 =	sshll.u32 s28, $0x1;
	[dreg:$0x2] =	wrdreg s6  }
0xac: {  	[dreg:$0x3] =	wrdreg s8  }
0xad: {  	[dreg:$0x4] =	wrdreg $0xC0  }
0xae: {  	_ =	task [dreg:s10], $0x5FFFF  }
0xaf: {  	[dreg:$0x1] =	wrdreg $0xFFFFFFFF  }
0xb0: {  	[dreg:$0x0] =	wrdreg $0x60  }
0xb1: {  	[dreg:$0x2] =	wrdreg s2  }
0xb2: {  	[dreg:$0x3] =	wrdreg s18  }
0xb3: {  	[dreg:$0x4] =	wrdreg s4  }
0xb4: {  	[dreg:$0x5] =	wrdreg s24  }
0xb5: {  	[dreg:$0x6] =	wrdreg s5  }
0xb6: {  	[dreg:$0x7] =	wrdreg $0x9  }
0xb7: {  	_ =	task.clear_ibuf [dreg:s10], $0x8FFFF;
	_ =	strace $0x90000046  }
0xb8: {  	s29 =	simm.s32 $0x9;
	_ =	strace $0x80000048  }
0xb9: {  	_ =	swait.ge [sflag:s29], $0x1  }
0xba: {  	[sflag:s29] =	ssyncadd.s32 $0xFFFFFFFF  }
0xbb: {  	_ =	strace $0x90000048  }
0xbc: {  	_ =	sfence  }
0xbd: {  	s30 =	sld [smem:$0x0];
	_ =	sdelay $0x2  }
0xbe: {  	s31 =	sshll.u32 s1, $0xD;
	s1 =	sshrl.u32 s1, $0x2  }
0xbf: {  	s3 =	sand.u32 $0x4000, s31;
	s1 =	sadd.s32 s1, s30  }
0xc0: {  	s0 =	sor.u32 s3, s0;
	s1 =	sshll.u32 s1, $0x11  }
0xc1: {  	s0 =	sor.u32 s1, s0  }
0xc2: {  	s0 =	sadd.s32 $0x8F2B, s0  }
0xc3: {  	[sflag:s0] =	ssyncadd.remote.s32 $0x1  }
0xc4: {  	_ =	sfence.sel $0xFFFF  }
0xc5: {  	[dreg:$0x0] =	wrdreg $0xFFFFFFFF;
	(pc) =	sbr.abs _section_cstart, $3  }
0xc6: {  	[dreg:$0x1] =	wrdreg $0xFFFFFFFF  }
0xc7: {  	_ =	task.clear_ibuf [dreg:s10], $0x2FFFF;
	_ =	strace $0x9FFFFFFF  }
0xc8: {  	(tm) =	ssettm $0x7FFFFFFF  }
0xc9: {  	_ =	shalt  }
tec
execute0_lowered:
.L_overlay_start_1:
0x0: {  	(tag) =	ssettag $0x1  }
0x1: {  	s0 =	rddreg [dreg:$0x0]  }
0x2: {  	s2 =	rddreg [dreg:$0x1]  }
0x3: {  	s3 =	rddreg [dreg:$0x2]  }
0x4: {  	s7 =	rddreg [dreg:$0x3]  }
0x5: {  	s4 =	rddreg [dreg:$0x4]  }
0x6: {  	s6 =	srdreg.scid;
	v16 =	vlaneseq.u32;
	s5 =	simm.s32 $0x0;
	s11 =	simm.s32 $0x400  }
0x7: {  	s12 =	simm.s32 $0x800;
	s13 =	simm.s32 $0x1800;
	s14 =	simm.s32 $0x80;
	v0 =	vmul.u32 $0x8, v16  }
0x8: {  	s15 =	simm.s32 $0x1;
	s16 =	simm.s32 $0x3800;
	s17 =	simm.s32 $0x13800;
	v4 =	vmul.u32 $0x40, v16  }
0x9: {  	s18 =	simm.s32 $0x0;
	s21 =	simm.s32 $0x0;
	s8 =	sand.u32 $0x1, s6;
	v16 =	vmul.u32 $0x20, v16;
	v1 =	vor.u32 $0x1, v0;
	v2 =	vor.u32 $0x2, v0  }
0xa: {  	[smem:$0x7FF] =	sst s5;
	s6 =	stileid.u32;
	s9 =	ssub.s32 $0x2, s8;
	v3 =	vor.u32 $0x3, v0;
	v5 =	vor.u32 $0x4, v0;
	v6 =	vor.u32 $0x5, v0  }
0xb: {  	s7 =	sadd.s32 $0x400, s7;
	_ =	strace $0x80000047;
	s10 =	sshrl.u32 s9, $0x1;
	v7 =	vor.u32 $0x6, v0;
	v8 =	vor.u32 $0x7, v0;
	v9 =	vor.u32 $0x38, v4  }
0xc: {  	s31 =	sshll.u32 s6, $0xF;
	s8 =	sshll.u32 s8, $0xE;
	v10 =	vor.u32 $0x30, v4;
	v11 =	vor.u32 $0x28, v4;
	v12 =	vor.u32 $0x20, v4;
	s9 =	ssub.s32 s9, s10  }
0xd: {  	s8 =	sor.u32 s8, s31;
	v13 =	vor.u32 $0x18, v4;
	v14 =	vor.u32 $0x10, v4;
	v15 =	vor.u32 $0x8, v4;
	s10 =	simm.s32 $0x2;
	s9 =	smax.u32 s9, $0x1  }
.LBB2_1:
0xe: {  	s19 =	simm.s32 $0x0  }
.LBB2_2:
0xf: {  	s20 =	sshll.u32 s19, $0xA  }
0x10: {  	s20 =	sadd.s32 s8, s20  }
0x11: {  	s22 =	sshrl.u32 s20, $0x3  }
0x12: {  	s23 =	sadd.s32 s0, s22  }
0x13: {  	[tilespmem:s21], [sflag:$0x2] =	stream.linear.gather [hbm4b:s23+s21], $0x400, $0x38;
	[tilespmem:$0x1B800] =	vst v63  }
0x14: {  	_ =	swait.ge [sflag:s10], $0x400  }
0x15: {  	[sflag:s10] =	ssyncset.done $0x0  }
0x16: {  	s31 =	sadd.s32 s2, s22;
	[sflag:s10] =	ssyncadd.s32 $0xFFFFFC00  }
0x17: {  	[tilespmem:s11], [sflag:$0x2] =	stream.linear.gather [hbm4b:s31+s21], $0x400, $0x38;
	[tilespmem:$0x1B800] =	vst v63  }
0x18: {  	_ =	swait.ge [sflag:s10], $0x400  }
0x19: {  	[sflag:s10] =	ssyncset.done $0x0  }
0x1a: {  	s22 =	sadd.s32 s3, s22;
	[sflag:s10] =	ssyncadd.s32 $0xFFFFFC00  }
0x1b: {  	[tilespmem:s12], [sflag:$0x2] =	stream.linear.gather [hbm4b:s22+s21], $0x400, $0x38;
	[tilespmem:$0x1B800] =	vst v63  }
0x1c: {  	_ =	swait.ge [sflag:s10], $0x400  }
0x1d: {  	[sflag:s10] =	ssyncset.done $0x0  }
0x1e: {  	s23 =	simm.s32 $0x0;
	s22 =	simm.f32 $1.600000000e+01;
	[sflag:s10] =	ssyncadd.s32 $0xFFFFFC00  }
.LBB2_3:
0x1f: {  	s25 =	simm.s32 $0x0  }
0x20: {  	v17 =	vld [tilespmem:s25+$0x800]  }
0x21: {  	v18 =	vld [tilespmem:s25+$0x400]  }
0x22: {  	v19 =	vld [tilespmem:s25+$0x0];
	_ =	sdelay $0x2  }
0x23: {  	v21 =	vmov s22  }
0x24: {  	v22 =	vmul.f32 v17, v21;
	v18 =	vmul.f32 v18, v21  }
0x25: {  	v23 =	vmul.f32 v19, v21  }
0x26: {  	s24 =	sshll.u32 s23, $0x13;
	v20 =	vor.u32 s21, v2;
	v27 =	vadd.f32 $5.000000000e-01, v22;
	v34 =	vadd.f32 $5.000000000e-01, v18  }
0x27: {  	v17 =	vmov s24;
	v19 =	vor.u32 s21, v7;
	v28 =	vadd.f32 $5.000000000e-01, v23  }
0x28: {  	v18 =	vor.u32 s21, v8;
	v23 =	vtrunc.f32 v27;
	v24 =	vtrunc.f32 v34  }
0x29: {  	v22 =	vor.u32 s21, v6;
	v25 =	vtrunc.f32 v28;
	v29 =	vcvt.f32.s32 v23  }
0x2a: {  	p0 =	por $0x0, $0x0;
	v23 =	vor.u32 s21, v5;
	v26 =	vcvt.f32.s32 v24;
	v24 =	vor.u32 s21, v3  }
.Ltmp0:
0x2b: {  	v31 =	vcvt.f32.s32 v25;
	v25 =	vor.u32 s21, v1;
	v30 =	vcvt.s32.f32 v29;
	(pc) =	sbr.rel @p0 .LBB2_5-.Ltmp0, $4  }
0x2c: {  	v35 =	vcvt.s32.f32 v26;
	v38 =	vmul.u32 $0x9E3779B1, v26;
	v26 =	vor.u32 s21, v0  }
0x2d: {  	v32 =	vadd.s32 $0x1, v31;
	v29 =	vmul.u32 $0x30025795, v29;
	v37 =	vcvt.s32.f32 v31  }
0x2e: {  	s26 =	simm.s32 $0x1800;
	s28 =	simm.s32 $0x40;
	s29 =	simm.s32 $0x3800;
	v33 =	vsub.f32 v27, v30;
	v36 =	vadd.s32 $0x9E3779B1, v38;
	v30 =	vxor.u32 v31, v38  }
0x2f: {  	s30 =	simm.s32 $0x1800;
	s31 =	simm.s32 $0x0;
	s24 =	simm.s32 $0x3800;
	v34 =	vsub.f32 v34, v35;
	v27 =	vxor.u32 v32, v38;
	v35 =	vxor.u32 v29, v30  }
.LBB2_4:
0x30: {  	v28 =	vsub.f32 v28, v37;
	[tilespmem:s25+$0x1400] =	vst v33;
	v31 =	vxor.u32 v31, v36;
	v32 =	vxor.u32 v32, v36;
	s29 =	sadd.s32 $0x400, s29;
	s30 =	sadd.s32 $0x80, s30;
	s31 =	sadd.s32 $0x80, s31  }
0x31: {  	s1 =	sshra.s32 s28, $0x2;
	p0 =	seq.s32 s28, $0xFC0;
	s28 =	sadd.s32 $0x40, s28;
	v33 =	vand.u32 $0x7FFFF, v35;
	[tilespmem:s25+$0x1000] =	vst v34;
	v34 =	vxor.u32 v29, v27;
	v35 =	vxor.u32 v29, v31  }
0x32: {  	[tilespmem:s25+$0xC00] =	vst v28;
	v28 =	vor.u32 v17, v33;
	v33 =	vand.u32 $0x7FFFF, v34;
	v34 =	vand.u32 $0x7FFFF, v35;
	s25 =	smov.u32 s1  }
0x33: {  	v35 =	vadd.s32 $0x30025795, v29;
	[tilespmem:v26+s13+$0x0] =	vst.idx.msk $0xffff, v28;
	v26 =	vor.u32 v17, v33;
	v28 =	vxor.u32 v29, v32  }
0x34: {  	[tilespmem:v25+s13+$0x0] =	vst.idx.msk $0xffff, v26;
	v25 =	vor.u32 v17, v34;
	v26 =	vand.u32 $0x7FFFF, v28;
	v28 =	vxor.u32 v30, v35  }
0x35: {  	[tilespmem:v20+s13+$0x0] =	vst.idx.msk $0xffff, v25;
	v20 =	vor.u32 v17, v26;
	v25 =	vand.u32 $0x7FFFF, v28;
	v26 =	vxor.u32 v27, v35  }
0x36: {  	[tilespmem:v24+s13+$0x0] =	vst.idx.msk $0xffff, v20;
	v20 =	vor.u32 v17, v25;
	v24 =	vand.u32 $0x7FFFF, v26;
	v25 =	vxor.u32 v35, v31  }
0x37: {  	[tilespmem:v23+s13+$0x0] =	vst.idx.msk $0xffff, v20;
	v23 =	vor.u32 v17, v24;
	v24 =	vand.u32 $0x7FFFF, v25;
	v25 =	vxor.u32 v35, v32  }
0x38: {  	v20 =	vor.u32 s31, v2;
	[tilespmem:v22+s13+$0x0] =	vst.idx.msk $0xffff, v23;
	v22 =	vor.u32 v17, v24;
	v23 =	vand.u32 $0x7FFFF, v25  }
0x39: {  	[tilespmem:v19+s13+$0x0] =	vst.idx.msk $0xffff, v22;
	v19 =	vor.u32 v17, v23  }
0x3a: {  	[tilespmem:v18+s13+$0x0] =	vst.idx.msk $0xffff, v19  }
0x3b: {  	[tilespmem:s24], [sflag:$0x1] =	stream.indirect.gather [hbm4b:s7+s14], $0x2, s26, s14, $0xb8;
	[tilespmem:$0x1B800] =	vst v63  }
0x3c: {  	s24 =	smov.u32 s29;
	s26 =	smov.u32 s30;
	v18 =	vld [tilespmem:s25+$0x800]  }
0x3d: {  	v19 =	vld [tilespmem:s25+$0x400]  }
0x3e: {  	v22 =	vld [tilespmem:s25+$0x0];
	_ =	sdelay $0x2  }
0x3f: {  	v18 =	vmul.f32 v18, v21  }
0x40: {  	v19 =	vmul.f32 v19, v21  }
0x41: {  	v22 =	vmul.f32 v22, v21;
	v27 =	vadd.f32 $5.000000000e-01, v18  }
0x42: {  	v18 =	vor.u32 s31, v8;
	v34 =	vadd.f32 $5.000000000e-01, v19;
	v19 =	vor.u32 s31, v7  }
0x43: {  	v28 =	vadd.f32 $5.000000000e-01, v22;
	v23 =	vtrunc.f32 v27;
	v22 =	vor.u32 s31, v6  }
0x44: {  	v24 =	vtrunc.f32 v34;
	v29 =	vcvt.f32.s32 v23;
	v23 =	vor.u32 s31, v5  }
0x45: {  	v25 =	vtrunc.f32 v28;
	v26 =	vcvt.f32.s32 v24;
	v24 =	vor.u32 s31, v3  }
.Ltmp1:
0x46: {  	v31 =	vcvt.f32.s32 v25;
	v30 =	vcvt.s32.f32 v29;
	v25 =	vor.u32 s31, v1;
	(pc) =	sbr.rel @!p0 .LBB2_4-.Ltmp1, $4  }
0x47: {  	v35 =	vcvt.s32.f32 v26;
	v38 =	vmul.u32 $0x9E3779B1, v26;
	v26 =	vor.u32 s31, v0  }
0x48: {  	v29 =	vmul.u32 $0x30025795, v29;
	v33 =	vsub.f32 v27, v30;
	v32 =	vadd.s32 $0x1, v31  }
0x49: {  	v37 =	vcvt.s32.f32 v31;
	v36 =	vadd.s32 $0x9E3779B1, v38;
	v30 =	vxor.u32 v31, v38  }
0x4a: {  	v34 =	vsub.f32 v34, v35;
	v27 =	vxor.u32 v32, v38;
	v35 =	vxor.u32 v29, v30  }
.LBB2_5:
0x4b: {  	_ = 	snop  }
0x4c: {  	v21 =	vsub.f32 v28, v37;
	[tilespmem:s25+$0x1400] =	vst v33;
	v39 =	vxor.u32 v31, v36;
	v40 =	vxor.u32 v32, v36  }
0x4d: {  	v41 =	vand.u32 $0x7FFFF, v35;
	v42 =	vxor.u32 v29, v27;
	v47 =	vadd.s32 $0x30025795, v29;
	[tilespmem:s25+$0x1000] =	vst v34  }
0x4e: {  	v43 =	vxor.u32 v29, v39;
	v44 =	vor.u32 v17, v41;
	v45 =	vand.u32 $0x7FFFF, v42;
	[tilespmem:s25+$0xC00] =	vst v21  }
0x4f: {  	v49 =	vxor.u32 v29, v40;
	v46 =	vand.u32 $0x7FFFF, v43;
	v48 =	vor.u32 v17, v45;
	[tilespmem:v26+s13+$0x0] =	vst.idx.msk $0xffff, v44  }
0x50: {  	v52 =	vxor.u32 v30, v47;
	v51 =	vand.u32 $0x7FFFF, v49;
	v50 =	vor.u32 v17, v46;
	[tilespmem:v25+s13+$0x0] =	vst.idx.msk $0xffff, v48  }
0x51: {  	v55 =	vxor.u32 v27, v47;
	v54 =	vand.u32 $0x7FFFF, v52;
	v53 =	vor.u32 v17, v51;
	[tilespmem:v20+s13+$0x0] =	vst.idx.msk $0xffff, v50  }
0x52: {  	v58 =	vxor.u32 v47, v39;
	v57 =	vand.u32 $0x7FFFF, v55;
	v56 =	vor.u32 v17, v54;
	[tilespmem:v24+s13+$0x0] =	vst.idx.msk $0xffff, v53  }
0x53: {  	v61 =	vxor.u32 v47, v40;
	v60 =	vand.u32 $0x7FFFF, v58;
	v59 =	vor.u32 v17, v57;
	[tilespmem:v23+s13+$0x0] =	vst.idx.msk $0xffff, v56  }
0x54: {  	v63 =	vand.u32 $0x7FFFF, v61;
	v62 =	vor.u32 v17, v60;
	[tilespmem:v22+s13+$0x0] =	vst.idx.msk $0xffff, v59  }
0x55: {  	v17 =	vor.u32 v17, v63;
	[tilespmem:v19+s13+$0x0] =	vst.idx.msk $0xffff, v62  }
0x56: {  	[tilespmem:v18+s13+$0x0] =	vst.idx.msk $0xffff, v17  }
0x57: {  	[tilespmem:s24], [sflag:$0x1] =	stream.indirect.gather [hbm4b:s7+s14], $0x2, s26, s14, $0xb8;
	[tilespmem:$0x1B800] =	vst v63  }
0x58: {  	_ =	swait.ge [sflag:s15], $0x100  }
0x59: {  	s24 =	simm.s32 $0x3F;
	[sflag:s15] =	ssyncset.done $0x0  }
.LBB2_6:
0x5a: {  	p0 =	seq.s32 s24, $0x1;
	s24 =	sadd.s32 $0xFFFFFFFF, s24;
	[sflag:s15] =	ssyncadd.s32 $0xFFFFFF00  }
.Ltmp2:
0x5b: {  	(pc) =	sbr.rel @!p0 .LBB2_6-.Ltmp2, $3  }
0x5c: {  	_ =	sdelay $0x1  }
0x5d: {  	_ =	swait.ge [sflag:s15], $0x100  }
0x5e: {  	[sflag:s15] =	ssyncset.done $0x0  }
0x5f: {  	s25 =	simm.s32 $0x0  }
0x60: {  	v19 =	vmov s25  }
0x61: {  	v19 =	vshll.u32 v19, $0x3  }
0x62: {  	v20 =	vor.u32 v4, v19  }
0x63: {  	v31 =	vor.u32 v15, v19  }
0x64: {  	v28 =	vor.u32 v14, v19  }
0x65: {  	[sflag:s15] =	ssyncadd.s32 $0xFFFFFF00;
	s24 =	simm.s32 $0x1400;
	v33 =	vor.u32 v13, v19;
	v32 =	vor.u32 v12, v19  }
0x66: {  	v25 =	vor.u32 v11, v19;
	v29 =	vor.u32 v10, v19;
	v30 =	vor.u32 v9, v19;
	v19 =	vld [tilespmem:s24+$0xFFFFF800]  }
0x67: {  	v21 =	vld.idx.msk [tilespmem:v20+s16+$0x0], $0xffff  }
0x68: {  	v22 =	vld.idx.msk [tilespmem:v31+s16+$0x0], $0xffff  }
0x69: {  	v24 =	vld.idx.msk [tilespmem:v28+s16+$0x0], $0xffff  }
0x6a: {  	v36 =	vor.u32 $0x1, v25;
	v23 =	vld.idx.msk [tilespmem:v33+s16+$0x0], $0xffff  }
0x6b: {  	v26 =	vld.idx.msk [tilespmem:v32+s16+$0x0], $0xffff;
	v32 =	vor.u32 $0x1, v32  }
0x6c: {  	s1 =	sshll.u32 s23, $0x1;
	v34 =	vor.u32 $0x1, v28;
	v25 =	vld.idx.msk [tilespmem:v25+s16+$0x0], $0xffff  }
0x6d: {  	v18 =	vmov s1;
	v35 =	vor.u32 $0x1, v20;
	v27 =	vld.idx.msk [tilespmem:v29+s16+$0x0], $0xffff  }
0x6e: {  	v17 =	vand.u32 $0x6, v18;
	v28 =	vld.idx.msk [tilespmem:v30+s16+$0x0], $0xffff;
	v31 =	vor.u32 $0x1, v31  }
0x6f: {  	s26 =	simm.s32 $0x10;
	s28 =	simm.s32 $0x0;
	v17 =	vor.u32 $0x1, v17;
	v33 =	vor.u32 $0x1, v33;
	v20 =	vld.idx.msk [tilespmem:v36+s16+$0x0], $0xffff  }
.LBB2_8:
0x70: {  	p0 =	sne.s32 s26, $0x3F0;
	v32 =	vld.idx.msk [tilespmem:v32+s16+$0x0], $0xffff  }
0x71: {  	v29 =	vor.u32 $0x1, v29;
	v34 =	vld.idx.msk [tilespmem:v34+s16+$0x0], $0xffff  }
0x72: {  	v30 =	vor.u32 $0x1, v30;
	v36 =	vsub.f32 $1.000000000e+00, v19;
	v35 =	vld.idx.msk [tilespmem:v35+s16+$0x0], $0xffff  }
0x73: {  	v31 =	vld.idx.msk [tilespmem:v31+s16+$0x0], $0xffff  }
0x74: {  	v33 =	vld.idx.msk [tilespmem:v33+s16+$0x0], $0xffff;
	v21 =	vmul.f32 v21, v36  }
0x75: {  	v22 =	vmul.f32 v22, v19;
	v24 =	vmul.f32 v24, v36;
	v37 =	vld [tilespmem:s24+$0xFFFFFC00]  }
0x76: {  	v38 =	vmov s25;
	s25 =	smov.u32 s26;
	v23 =	vmul.f32 v23, v19;
	v26 =	vmul.f32 v26, v36;
	v29 =	vld.idx.msk [tilespmem:v29+s16+$0x0], $0xffff  }
0x77: {  	s28 =	sadd.s32 $0x80, s28;
	v38 =	vshll.u32 v38, $0x5;
	v25 =	vmul.f32 v25, v19;
	v27 =	vmul.f32 v27, v36;
	v30 =	vld.idx.msk [tilespmem:v30+s16+$0x0], $0xffff  }
0x78: {  	v39 =	vmov s28;
	v28 =	vmul.f32 v28, v19;
	v35 =	vmul.f32 v35, v36  }
0x79: {  	v38 =	vor.u32 v16, v38;
	v34 =	vmul.f32 v34, v36;
	v31 =	vmul.f32 v31, v19  }
0x7a: {  	v32 =	vmul.f32 v32, v36;
	v33 =	vmul.f32 v33, v19;
	v40 =	vsub.f32 $1.000000000e+00, v37  }
0x7b: {  	v20 =	vmul.f32 v20, v19;
	v21 =	vadd.f32 v22, v21;
	v22 =	vadd.f32 v23, v24  }
0x7c: {  	v24 =	vadd.f32 v25, v26;
	v25 =	vadd.f32 v28, v27;
	v26 =	vmul.f32 v29, v36;
	v23 =	vld [tilespmem:s24+$0x0]  }
0x7d: {  	v27 =	vadd.f32 v31, v35;
	v28 =	vadd.f32 v33, v34;
	v19 =	vmul.f32 v30, v19  }
0x7e: {  	v20 =	vadd.f32 v20, v32;
	v22 =	vmul.f32 v22, v37;
	v21 =	vmul.f32 v21, v40  }
0x7f: {  	v25 =	vmul.f32 v25, v37;
	v24 =	vmul.f32 v24, v40;
	v19 =	vadd.f32 v19, v26  }
0x80: {  	v27 =	vmul.f32 v27, v40;
	v28 =	vmul.f32 v28, v37;
	v26 =	vshll.u32 v39, $0x3  }
0x81: {  	v20 =	vmul.f32 v20, v40;
	v19 =	vmul.f32 v19, v37;
	v29 =	vsub.f32 $1.000000000e+00, v23  }
0x82: {  	v21 =	vadd.f32 v22, v21;
	v22 =	vadd.f32 v25, v24;
	v24 =	vadd.s32 v18, v38  }
0x83: {  	v25 =	vadd.f32 v28, v27;
	v19 =	vadd.f32 v19, v20;
	v20 =	vand.u32 $0x7FFFFFF8, v24  }
0x84: {  	v22 =	vmul.f32 v22, v23;
	v21 =	vmul.f32 v21, v29;
	v20 =	vor.u32 v20, v17  }
0x85: {  	v28 =	vor.u32 v4, v26;
	v25 =	vmul.f32 v25, v29;
	v19 =	vmul.f32 v19, v23  }
0x86: {  	v31 =	vor.u32 v15, v26;
	v21 =	vadd.f32 v22, v21  }
0x87: {  	v27 =	vor.u32 v14, v26;
	v19 =	vadd.f32 v19, v25  }
0x88: {  	v33 =	vor.u32 v13, v26;
	[tilespmem:v24+s17+$0x0] =	vst.idx.msk $0xffff, v21  }
0x89: {  	v25 =	vor.u32 v12, v26;
	[tilespmem:v20+s17+$0x0] =	vst.idx.msk $0xffff, v19  }
0x8a: {  	v19 =	vor.u32 v11, v26;
	v21 =	vld.idx.msk [tilespmem:v28+s16+$0x0], $0xffff  }
0x8b: {  	v29 =	vor.u32 v10, v26;
	v22 =	vld.idx.msk [tilespmem:v31+s16+$0x0], $0xffff  }
0x8c: {  	v24 =	vld.idx.msk [tilespmem:v27+s16+$0x0], $0xffff  }
0x8d: {  	v30 =	vor.u32 v9, v26;
	v23 =	vld.idx.msk [tilespmem:v33+s16+$0x0], $0xffff  }
0x8e: {  	v20 =	vor.u32 $0x1, v19;
	v26 =	vld.idx.msk [tilespmem:v25+s16+$0x0], $0xffff  }
.Ltmp3:
0x8f: {  	v32 =	vor.u32 $0x1, v25;
	v25 =	vld.idx.msk [tilespmem:v19+s16+$0x0], $0xffff;
	(pc) =	sbr.rel @p0 .LBB2_8-.Ltmp3, $4  }
0x90: {  	s24 =	sadd.s32 $0x10, s24;
	v34 =	vor.u32 $0x1, v27;
	v27 =	vld.idx.msk [tilespmem:v29+s16+$0x0], $0xffff  }
0x91: {  	v35 =	vor.u32 $0x1, v28;
	v19 =	vld [tilespmem:s24+$0xFFFFF800]  }
0x92: {  	v31 =	vor.u32 $0x1, v31;
	v28 =	vld.idx.msk [tilespmem:v30+s16+$0x0], $0xffff  }
0x93: {  	s26 =	sadd.s32 $0x10, s26;
	v33 =	vor.u32 $0x1, v33;
	v20 =	vld.idx.msk [tilespmem:v20+s16+$0x0], $0xffff  }
0x94: {  	_ =	sdelay $0x3  }
0x95: {  	v32 =	vld.idx.msk [tilespmem:v32+s16+$0x0], $0xffff  }
0x96: {  	v34 =	vld.idx.msk [tilespmem:v34+s16+$0x0], $0xffff;
	v29 =	vor.u32 $0x1, v29  }
0x97: {  	v35 =	vld.idx.msk [tilespmem:v35+s16+$0x0], $0xffff;
	v30 =	vor.u32 $0x1, v30  }
0x98: {  	v31 =	vld.idx.msk [tilespmem:v31+s16+$0x0], $0xffff;
	v36 =	vsub.f32 $1.000000000e+00, v19;
	v22 =	vmul.f32 v22, v19  }
0x99: {  	v37 =	vld [tilespmem:s24+$0xFFFFFC00];
	v23 =	vmul.f32 v23, v19;
	v25 =	vmul.f32 v25, v19  }
0x9a: {  	v33 =	vld.idx.msk [tilespmem:v33+s16+$0x0], $0xffff;
	v28 =	vmul.f32 v28, v19;
	v21 =	vmul.f32 v21, v36  }
0x9b: {  	v24 =	vmul.f32 v24, v36;
	v26 =	vmul.f32 v26, v36;
	v29 =	vld.idx.msk [tilespmem:v29+s16+$0x0], $0xffff  }
0x9c: {  	v38 =	vmov s25;
	v27 =	vmul.f32 v27, v36;
	v20 =	vmul.f32 v20, v19;
	v30 =	vld.idx.msk [tilespmem:v30+s16+$0x0], $0xffff  }
0x9d: {  	v38 =	vshll.u32 v38, $0x5;
	v35 =	vmul.f32 v35, v36;
	v31 =	vmul.f32 v31, v19  }
0x9e: {  	v34 =	vmul.f32 v34, v36;
	v39 =	vsub.f32 $1.000000000e+00, v37;
	v21 =	vadd.f32 v22, v21  }
0x9f: {  	v33 =	vmul.f32 v33, v19;
	v51 =	vadd.f32 v23, v24;
	v53 =	vadd.f32 v25, v26  }
0xa0: {  	v52 =	vld [tilespmem:s24+$0x0];
	v32 =	vmul.f32 v32, v36;
	v54 =	vadd.f32 v28, v27;
	v56 =	vadd.f32 v31, v35  }
0xa1: {  	v57 =	vadd.f32 v33, v34;
	v55 =	vmul.f32 v29, v36;
	v19 =	vmul.f32 v30, v19  }
0xa2: {  	v20 =	vadd.f32 v20, v32;
	v21 =	vmul.f32 v21, v39;
	v22 =	vmul.f32 v51, v37  }
0xa3: {  	v24 =	vmul.f32 v53, v39;
	v25 =	vmul.f32 v54, v37;
	v19 =	vadd.f32 v19, v55  }
0xa4: {  	v58 =	vor.u32 v16, v38;
	v27 =	vmul.f32 v56, v39;
	v28 =	vmul.f32 v57, v37  }
0xa5: {  	v59 =	vsub.f32 $1.000000000e+00, v52;
	v20 =	vmul.f32 v20, v39;
	v19 =	vmul.f32 v19, v37  }
0xa6: {  	v18 =	vadd.s32 v18, v58;
	v21 =	vadd.f32 v22, v21;
	v60 =	vadd.f32 v25, v24  }
0xa7: {  	s23 =	sadd.s32 $0x1, s23;
	v62 =	vand.u32 $0x7FFFFFF8, v18;
	v61 =	vadd.f32 v28, v27;
	v19 =	vadd.f32 v19, v20  }
0xa8: {  	p0 =	sne.s32 s23, $0x10;
	v17 =	vor.u32 v62, v17;
	v21 =	vmul.f32 v21, v59;
	v22 =	vmul.f32 v60, v52  }
.Ltmp4:
0xa9: {  	v63 =	vmul.f32 v61, v59;
	v19 =	vmul.f32 v19, v52;
	(pc) =	sbr.rel @p0 .LBB2_3-.Ltmp4, $4  }
0xaa: {  	v21 =	vadd.f32 v22, v21  }
0xab: {  	v19 =	vadd.f32 v19, v63  }
0xac: {  	[tilespmem:v18+s17+$0x0] =	vst.idx.msk $0xffff, v21  }
0xad: {  	s22 =	sadd.f32 s22, s22;
	[tilespmem:v17+s17+$0x0] =	vst.idx.msk $0xffff, v19  }
0xae: {  	s19 =	sadd.s32 $0x1, s19  }
0xaf: {  	s1 =	sshll.u32 s20, $0x2;
	p0 =	sne.s32 s19, $0x10  }
.Ltmp5:
0xb0: {  	s1 =	sadd.s32 s4, s1;
	(pc) =	sbr.rel @p0 .LBB2_2-.Ltmp5, $4  }
0xb1: {  	[hbm4b:s1+s5] =	stream.linear.scatter [tilespmem:s17], [sflag:$0x2], $0x8000, $0x38;
	[tilespmem:$0x1B800] =	vst v63  }
0xb2: {  	_ =	swait.ge [sflag:s10], $0x8000  }
0xb3: {  	[sflag:s10] =	ssyncset.done $0x0  }
0xb4: {  	[sflag:s10] =	ssyncadd.s32 $0xFFFF8000  }
0xb5: {  	s18 =	sadd.s32 $0x1, s18  }
0xb6: {  	p0 =	sne.s32 s18, s9  }
.Ltmp6:
0xb7: {  	_ = 	snop;
	(pc) =	sbr.rel @p0 .LBB2_1-.Ltmp6, $1  }
0xb8: {  	_ =	sdelay $0x3  }
0xb9: {  	_ =	sfence.sel $0x180000  }
0xba: {  	[bflag:$0x0] =	sbarrier.arrive $0xFFFF  }
0xbb: {  	_ =	strace $0x90000047  }
0xbc: {  	[bflag:$0x2] =	sbarrier.arrive $0xFFFF  }
0xbd: {  	p0 =	sne.s32 s6, $0x0;
	s0 =	rddreg [dreg:$0x5]  }
0xbe: {  	s0 =	sadd.s32 @!p0 $0x100000, s0  }
0xbf: {  	[sflag:s0] =	ssyncadd.tile.s32 @!p0 $0x1;
	_ =	shalt  }
.Lfunc_end2:
_tile_overlayer_lowered:
.L_overlay_start_2:
0xc0: {  	(tag) =	ssettag $0x2  }
0xc1: {  	s0 =	rddreg [dreg:$0x0];
	s2 =	stileid.u32  }
0xc2: {  	s1 =	rddreg [dreg:$0x1];
	p0 =	sne.s32 s2, $0x0  }
0xc3: {  	s3 =	rddreg [dreg:$0x2];
	[bflag:$0x3] =	sbarrier.arrive $0xFFFF;
	s2 =	simm.s32 @!p0 $0x1C02  }
0xc4: {  	[timem:s3], [sflag:s2] =	dma.local @!p0 [hbm:s0], s1  }
0xc5: {  	s0 =	simm.s32 @!p0 $0x2  }
0xc6: {  	_ =	swait.ge @!p0 [sflag:s0], s1  }
0xc7: {  	s1 =	ssub.s32 @!p0 $0x0, s1;
	[sflag:s0] =	ssyncset.done @!p0 $0x0  }
0xc8: {  	[sflag:s0] =	ssyncadd.s32 @!p0 s1  }
0xc9: {  	[bflag:$0x3] =	sbarrier.arrive $0xFFFF  }
0xca: {  	_ =	shalt  }

</sc_bundles>
